<compile_context>
chip_gen: v7x
topology: tpu7x:2x2x1
jax: 0.10.2.dev20260603
libtpu: 0.0.44.dev20260713+nightly
codegen_flags: <defaults>
</compile_context>

<pallas_src>
import jax
import jax.numpy as jnp
from jax import lax
from jax.experimental import pallas as pl
from jax.experimental.pallas import tpu as pltpu
from jax.experimental.pallas import tpu_sc as plsc

N = 10000
D = 256
HALF = 128
W_ROW = 144
E = 160000
CHUNK = 64
NTILE = 16
EP = 163840
NCHUNK = EP // CHUNK
CPT = NCHUNK // NTILE
NACC = 10048
ROWS_PT = NACC // NTILE


NB = 4
ITILE = 16


def _sc_body(tab, gidx, didx, s_out, acc_sh, gi2_v, di2_v, rows, gsems, ssems,
             zblk_v):
    cid = lax.axis_index("c")
    sid = lax.axis_index("s")
    z16 = jnp.zeros((16,), jnp.float32)

    for i in range(4):
        for j in range(W_ROW // 16):
            zblk_v[i, pl.ds(j * 16, 16)] = z16

    base = sid * ROWS_PT

    @pl.loop(0, ROWS_PT // 4)
    def _zero_acc(r):
        pltpu.sync_copy(zblk_v, acc_sh.at[pl.ds(base + r * 4, 4)])

    plsc.subcore_barrier()

    @pl.loop(0, CPT // ITILE)
    def _itile(t):
        c0 = t * ITILE
        pltpu.sync_copy(
            gidx.at[pl.ds(cid * NCHUNK + sid * CPT + c0, ITILE)], gi2_v)
        pltpu.sync_copy(didx.at[pl.ds(sid * CPT + c0, ITILE)], di2_v)

        for b in range(NB):
            pltpu.make_async_copy(tab.at[gi2_v.at[b]], rows[b],
                                  gsems[b]).start()

        @pl.loop(0, ITILE // NB)
        def _round(j):
            k0 = j * NB
            for b in range(NB):
                pltpu.make_async_copy(tab.at[gi2_v.at[k0 + b]], rows[b],
                                      gsems[b]).wait()
                pltpu.async_copy(rows[b], acc_sh.at[di2_v.at[k0 + b]],
                                 ssems[b], add=True)
            for b in range(NB):
                kn = k0 + NB + b

                @pl.when(kn < ITILE)
                def _refill(b=b, kn=kn):
                    pltpu.make_async_copy(rows[b], acc_sh.at[di2_v.at[kn]],
                                          ssems[b]).wait()
                    pltpu.make_async_copy(tab.at[gi2_v.at[kn]], rows[b],
                                          gsems[b]).start()

        for b in range(NB):
            pltpu.make_async_copy(rows[b], acc_sh.at[di2_v.at[b]],
                                  ssems[b]).wait()

    plsc.subcore_barrier()

    pltpu.sync_copy(acc_sh.at[pl.ds(base, ROWS_PT)],
                    s_out.at[pl.ds(cid * NACC + base, ROWS_PT)])


_sc_kernel = pl.kernel(
    _sc_body,
    out_type=[jax.ShapeDtypeStruct((2 * NACC, W_ROW), jnp.float32)],
    mesh=plsc.VectorSubcoreMesh(core_axis_name="c", subcore_axis_name="s"),
    scratch_types=[
        pltpu.VMEM_SHARED((NACC, W_ROW), jnp.float32),
        pltpu.VMEM((ITILE, CHUNK), jnp.int32),
        pltpu.VMEM((ITILE, CHUNK), jnp.int32),
        [pltpu.VMEM((CHUNK, W_ROW), jnp.float32)] * NB,
        [pltpu.SemaphoreType.DMA] * NB,
        [pltpu.SemaphoreType.DMA] * NB,
        pltpu.VMEM((4, W_ROW), jnp.float32),
    ],
    compiler_params=pltpu.CompilerParams(use_tc_tiling_on_sc=False),
)


RB = 1000


def _tc_body(x_ref, s_ref, ws_ref, wm_ref, b_ref, o_ref):
    hi = lax.Precision.HIGHEST
    s0 = s_ref[0]
    s1 = s_ref[1]
    deg = jnp.maximum(s0[:, HALF:HALF + 1], 1.0)
    inv = 1.0 / deg
    acc = jnp.dot(x_ref[...], ws_ref[...], precision=hi,
                  preferred_element_type=jnp.float32)
    acc = acc + jnp.dot(s0[:, :HALF] * inv, wm_ref[0], precision=hi,
                        preferred_element_type=jnp.float32)
    acc = acc + jnp.dot(s1[:, :HALF] * inv, wm_ref[1], precision=hi,
                        preferred_element_type=jnp.float32)
    o_ref[...] = jnp.maximum(acc + b_ref[...], 0.0)


_tc_call = pl.pallas_call(
    _tc_body,
    grid=(N // RB,),
    in_specs=[
        pl.BlockSpec((RB, D), lambda i: (i, 0)),
        pl.BlockSpec((2, RB, W_ROW), lambda i: (0, i, 0)),
        pl.BlockSpec((D, D), lambda i: (0, 0)),
        pl.BlockSpec((2, HALF, D), lambda i: (0, 0, 0)),
        pl.BlockSpec((1, D), lambda i: (0, 0)),
    ],
    out_specs=pl.BlockSpec((RB, D), lambda i: (i, 0)),
    out_shape=jax.ShapeDtypeStruct((N, D), jnp.float32),
)


@jax.jit
def kernel(x_capec, edge_index_capec_to_capec, edge_index_capec_rel_capec,
           edge_label, W_self, W_msg, b, rel_embedding):
    del edge_index_capec_to_capec, edge_label, rel_embedding
    src = edge_index_capec_rel_capec[0].astype(jnp.int32)
    dst = edge_index_capec_rel_capec[1].astype(jnp.int32)
    pad = EP - E
    src_p = jnp.concatenate([src, jnp.zeros((pad,), jnp.int32)])
    dst_p = jnp.concatenate([dst, jnp.full((pad,), N, jnp.int32)])
    g = src_p * 2
    gidx = jnp.concatenate([g, g + 1]).reshape(2 * NCHUNK, CHUNK)
    didx = dst_p.reshape(NCHUNK, CHUNK)
    x2 = x_capec.reshape(2 * N, HALF)
    tab = jnp.concatenate(
        [x2, jnp.ones((2 * N, W_ROW - HALF), jnp.float32)], axis=1)
    (s_flat,) = _sc_kernel(tab, gidx, didx)
    s = s_flat.reshape(2, NACC, W_ROW)
    return _tc_call(x_capec, s, W_self,
                    W_msg.reshape(2, HALF, D), b.reshape(1, D))

# --- scband reference (transcript-rebuilt; emitter-appended) ---
"""Pipeline reference for scband-model-76716705841461 (READ-ONLY COPY).

The authoritative reference and input builder live on the scoring server;
editing this copy changes nothing except your own understanding.
"""

import jax, jax.numpy as jnp
import numpy as np

N = 10000   # n_nodes ('capec')
D = 256     # feature dim (matches rel_embedding dim)
E = 160000  # edges per edge type


def setup_inputs(seed: int = 0) -> dict:
    key = jax.random.key(seed)
    ks = jax.random.split(key, 8)
    x_capec = jax.random.normal(ks[0], (N, D), dtype=jnp.float32)
    edge_index_capec_to_capec = jax.random.randint(ks[1], (2, E), 0, N)
    edge_index_capec_rel_capec = jax.random.randint(ks[2], (2, E), 0, N)
    edge_label = jax.random.randint(ks[3], (E,), 0, 5)
    bound = 1.0 / np.sqrt(D)
    # HGT surrogate parameters (single hetero message-passing layer)
    W_self = jax.random.uniform(ks[4], (D, D), minval=-bound, maxval=bound, dtype=jnp.float32)
    W_msg = jax.random.uniform(ks[5], (D, D), minval=-bound, maxval=bound, dtype=jnp.float32)
    b = jnp.zeros((D,), dtype=jnp.float32)
    # rel_embedding (5, 256), normalized rows, as in Model.reset_parameters (unused in forward)
    bnd = 6.0 / np.sqrt(D)
    rel = jax.random.uniform(ks[6], (5, D), minval=-bnd, maxval=bnd, dtype=jnp.float32)
    rel_embedding = rel / jnp.linalg.norm(rel, axis=-1, keepdims=True)
    return {
        'x_capec': x_capec,
        'edge_index_capec_to_capec': edge_index_capec_to_capec,
        'edge_index_capec_rel_capec': edge_index_capec_rel_capec,
        'edge_label': edge_label,
        'W_self': W_self,
        'W_msg': W_msg,
        'b': b,
        'rel_embedding': rel_embedding,
    }


def reference(x_capec, edge_index_capec_to_capec, edge_index_capec_rel_capec,
              edge_label, W_self, W_msg, b, rel_embedding):
    # forward() pops the ('capec','to','capec') edge type before running the GNN
    del edge_index_capec_to_capec
    # edge_label and rel_embedding are only used in loss(), not forward()
    del edge_label, rel_embedding
    src = edge_index_capec_rel_capec[0]
    dst = edge_index_capec_rel_capec[1]
    # HGT-like hetero conv: gather source features, transform, scatter-mean to dst
    msg = x_capec[src] @ W_msg                                   # gather + matmul
    agg = jax.ops.segment_sum(msg, dst, num_segments=N)          # scatter-add
    deg = jax.ops.segment_sum(jnp.ones((E,), jnp.float32), dst, num_segments=N)
    mean = agg / jnp.maximum(deg, 1.0)[:, None]
    out = jax.nn.relu(x_capec @ W_self + mean + b)
    return out

if __name__ == "__main__":
    import jax
    _d = setup_inputs()
    print(jax.jit(kernel)(*tuple(_d.values())))

</pallas_src>

<mosaic_0001>
#map = affine_map<(d0, d1) -> (0, 0)>
module attributes {stable_mosaic.version = 14 : i64} {
  func.func @_sc_body(%arg0: i32, %arg1: i32, %arg2: memref<20000x144xf32, #tpu.memory_space<hbm>>, %arg3: memref<5120x64xi32, #tpu.memory_space<hbm>>, %arg4: memref<2560x64xi32, #tpu.memory_space<hbm>>, %arg5: memref<20096x144xf32, #tpu.memory_space<hbm>>, %arg6: memref<10048x144xf32, #tpu.memory_space<vmem_shared>>, %arg7: memref<16x64xi32, #tpu.memory_space<vmem>>, %arg8: memref<16x64xi32, #tpu.memory_space<vmem>>, %arg9: memref<64x144xf32, #tpu.memory_space<vmem>>, %arg10: memref<64x144xf32, #tpu.memory_space<vmem>>, %arg11: memref<64x144xf32, #tpu.memory_space<vmem>>, %arg12: memref<64x144xf32, #tpu.memory_space<vmem>>, %arg13: memref<!tpu.dma_semaphore, #tpu.memory_space<semaphore_mem>>, %arg14: memref<!tpu.dma_semaphore, #tpu.memory_space<semaphore_mem>>, %arg15: memref<!tpu.dma_semaphore, #tpu.memory_space<semaphore_mem>>, %arg16: memref<!tpu.dma_semaphore, #tpu.memory_space<semaphore_mem>>, %arg17: memref<!tpu.dma_semaphore, #tpu.memory_space<semaphore_mem>>, %arg18: memref<!tpu.dma_semaphore, #tpu.memory_space<semaphore_mem>>, %arg19: memref<!tpu.dma_semaphore, #tpu.memory_space<semaphore_mem>>, %arg20: memref<!tpu.dma_semaphore, #tpu.memory_space<semaphore_mem>>, %arg21: memref<4x144xf32, #tpu.memory_space<vmem>>) attributes {dimension_semantics = [#tpu.dimension_semantics<core_parallel>, #tpu.dimension_semantics<subcore_parallel>], iteration_bounds = array<i64: 2, 16>, scalar_prefetch = 0 : i64, scratch_operands = 16 : i64, tpu.core_type = #tpu.core_type<sc_vector_subcore>, window_params = [{transform_indices = #map}, {transform_indices = #map}, {transform_indices = #map}, {transform_indices = #map}]} {
    %broadcast_in_dim3A = arith.constant 0.000000e+00 : f32
    %broadcast_in_dim3A_0 = vector.broadcast %broadcast_in_dim3A : f32 to vector<16xf32>
    %swap3A = arith.constant 0 : i32
    %swap3A_1 = arith.index_cast %swap3A : i32 to index
    %swap3A_2 = arith.constant 0 : index
    %swap3A_3 = tpu.vector_load %arg21[%swap3A_1, %swap3A_2] {strides = array<i32>} : memref<4x144xf32, #tpu.memory_space<vmem>>, vector<1x16xf32>,
    %swap3A_4 = vector.shape_cast %swap3A_3 : vector<1x16xf32> to vector<16xf32>
    %swap3A_5 = vector.shape_cast %broadcast_in_dim3A_0 : vector<16xf32> to vector<1x16xf32>
    tpu.vector_store %arg21[%swap3A_1, %swap3A_2], %swap3A_5 {strides = array<i32>} : memref<4x144xf32, #tpu.memory_space<vmem>>, vector<1x16xf32>,
    %swap3A_6 = arith.constant 0 : i32
    %swap3A_7 = arith.index_cast %swap3A_6 : i32 to index
    %swap3A_8 = arith.constant 16 : index
    %swap3A_9 = tpu.vector_load %arg21[%swap3A_7, %swap3A_8] {strides = array<i32>} : memref<4x144xf32, #tpu.memory_space<vmem>>, vector<1x16xf32>,
    %swap3A_10 = vector.shape_cast %swap3A_9 : vector<1x16xf32> to vector<16xf32>
    %swap3A_11 = vector.shape_cast %broadcast_in_dim3A_0 : vector<16xf32> to vector<1x16xf32>
    tpu.vector_store %arg21[%swap3A_7, %swap3A_8], %swap3A_11 {strides = array<i32>} : memref<4x144xf32, #tpu.memory_space<vmem>>, vector<1x16xf32>,
    %swap3A_12 = arith.constant 0 : i32
    %swap3A_13 = arith.index_cast %swap3A_12 : i32 to index
    %swap3A_14 = arith.constant 32 : index
    %swap3A_15 = tpu.vector_load %arg21[%swap3A_13, %swap3A_14] {strides = array<i32>} : memref<4x144xf32, #tpu.memory_space<vmem>>, vector<1x16xf32>,
    %swap3A_16 = vector.shape_cast %swap3A_15 : vector<1x16xf32> to vector<16xf32>
    %swap3A_17 = vector.shape_cast %broadcast_in_dim3A_0 : vector<16xf32> to vector<1x16xf32>
    tpu.vector_store %arg21[%swap3A_13, %swap3A_14], %swap3A_17 {strides = array<i32>} : memref<4x144xf32, #tpu.memory_space<vmem>>, vector<1x16xf32>,
    %swap3A_18 = arith.constant 0 : i32
    %swap3A_19 = arith.index_cast %swap3A_18 : i32 to index
    %swap3A_20 = arith.constant 48 : index
    %swap3A_21 = tpu.vector_load %arg21[%swap3A_19, %swap3A_20] {strides = array<i32>} : memref<4x144xf32, #tpu.memory_space<vmem>>, vector<1x16xf32>,
    %swap3A_22 = vector.shape_cast %swap3A_21 : vector<1x16xf32> to vector<16xf32>
    %swap3A_23 = vector.shape_cast %broadcast_in_dim3A_0 : vector<16xf32> to vector<1x16xf32>
    tpu.vector_store %arg21[%swap3A_19, %swap3A_20], %swap3A_23 {strides = array<i32>} : memref<4x144xf32, #tpu.memory_space<vmem>>, vector<1x16xf32>,
    %swap3A_24 = arith.constant 0 : i32
    %swap3A_25 = arith.index_cast %swap3A_24 : i32 to index
    %swap3A_26 = arith.constant 64 : index
    %swap3A_27 = tpu.vector_load %arg21[%swap3A_25, %swap3A_26] {strides = array<i32>} : memref<4x144xf32, #tpu.memory_space<vmem>>, vector<1x16xf32>,
    %swap3A_28 = vector.shape_cast %swap3A_27 : vector<1x16xf32> to vector<16xf32>
    %swap3A_29 = vector.shape_cast %broadcast_in_dim3A_0 : vector<16xf32> to vector<1x16xf32>
    tpu.vector_store %arg21[%swap3A_25, %swap3A_26], %swap3A_29 {strides = array<i32>} : memref<4x144xf32, #tpu.memory_space<vmem>>, vector<1x16xf32>,
    %swap3A_30 = arith.constant 0 : i32
    %swap3A_31 = arith.index_cast %swap3A_30 : i32 to index
    %swap3A_32 = arith.constant 80 : index
    %swap3A_33 = tpu.vector_load %arg21[%swap3A_31, %swap3A_32] {strides = array<i32>} : memref<4x144xf32, #tpu.memory_space<vmem>>, vector<1x16xf32>,
    %swap3A_34 = vector.shape_cast %swap3A_33 : vector<1x16xf32> to vector<16xf32>
    %swap3A_35 = vector.shape_cast %broadcast_in_dim3A_0 : vector<16xf32> to vector<1x16xf32>
    tpu.vector_store %arg21[%swap3A_31, %swap3A_32], %swap3A_35 {strides = array<i32>} : memref<4x144xf32, #tpu.memory_space<vmem>>, vector<1x16xf32>,
    %swap3A_36 = arith.constant 0 : i32
    %swap3A_37 = arith.index_cast %swap3A_36 : i32 to index
    %swap3A_38 = arith.constant 96 : index
    %swap3A_39 = tpu.vector_load %arg21[%swap3A_37, %swap3A_38] {strides = array<i32>} : memref<4x144xf32, #tpu.memory_space<vmem>>, vector<1x16xf32>,
    %swap3A_40 = vector.shape_cast %swap3A_39 : vector<1x16xf32> to vector<16xf32>
    %swap3A_41 = vector.shape_cast %broadcast_in_dim3A_0 : vector<16xf32> to vector<1x16xf32>
    tpu.vector_store %arg21[%swap3A_37, %swap3A_38], %swap3A_41 {strides = array<i32>} : memref<4x144xf32, #tpu.memory_space<vmem>>, vector<1x16xf32>,
    %swap3A_42 = arith.constant 0 : i32
    %swap3A_43 = arith.index_cast %swap3A_42 : i32 to index
    %swap3A_44 = arith.constant 112 : index
    %swap3A_45 = tpu.vector_load %arg21[%swap3A_43, %swap3A_44] {strides = array<i32>} : memref<4x144xf32, #tpu.memory_space<vmem>>, vector<1x16xf32>,
    %swap3A_46 = vector.shape_cast %swap3A_45 : vector<1x16xf32> to vector<16xf32>
    %swap3A_47 = vector.shape_cast %broadcast_in_dim3A_0 : vector<16xf32> to vector<1x16xf32>
    tpu.vector_store %arg21[%swap3A_43, %swap3A_44], %swap3A_47 {strides = array<i32>} : memref<4x144xf32, #tpu.memory_space<vmem>>, vector<1x16xf32>,
    %swap3A_48 = arith.constant 0 : i32
    %swap3A_49 = arith.index_cast %swap3A_48 : i32 to index
    %swap3A_50 = arith.constant 128 : index
    %swap3A_51 = tpu.vector_load %arg21[%swap3A_49, %swap3A_50] {strides = array<i32>} : memref<4x144xf32, #tpu.memory_space<vmem>>, vector<1x16xf32>,
    %swap3A_52 = vector.shape_cast %swap3A_51 : vector<1x16xf32> to vector<16xf32>
    %swap3A_53 = vector.shape_cast %broadcast_in_dim3A_0 : vector<16xf32> to vector<1x16xf32>
    tpu.vector_store %arg21[%swap3A_49, %swap3A_50], %swap3A_53 {strides = array<i32>} : memref<4x144xf32, #tpu.memory_space<vmem>>, vector<1x16xf32>,
    %swap3A_54 = arith.constant 1 : i32
    %swap3A_55 = arith.index_cast %swap3A_54 : i32 to index
    %swap3A_56 = arith.constant 0 : index
    %swap3A_57 = tpu.vector_load %arg21[%swap3A_55, %swap3A_56] {strides = array<i32>} : memref<4x144xf32, #tpu.memory_space<vmem>>, vector<1x16xf32>,
    %swap3A_58 = vector.shape_cast %swap3A_57 : vector<1x16xf32> to vector<16xf32>
    %swap3A_59 = vector.shape_cast %broadcast_in_dim3A_0 : vector<16xf32> to vector<1x16xf32>
    tpu.vector_store %arg21[%swap3A_55, %swap3A_56], %swap3A_59 {strides = array<i32>} : memref<4x144xf32, #tpu.memory_space<vmem>>, vector<1x16xf32>,
    %swap3A_60 = arith.constant 1 : i32
    %swap3A_61 = arith.index_cast %swap3A_60 : i32 to index
    %swap3A_62 = arith.constant 16 : index
    %swap3A_63 = tpu.vector_load %arg21[%swap3A_61, %swap3A_62] {strides = array<i32>} : memref<4x144xf32, #tpu.memory_space<vmem>>, vector<1x16xf32>,
    %swap3A_64 = vector.shape_cast %swap3A_63 : vector<1x16xf32> to vector<16xf32>
    %swap3A_65 = vector.shape_cast %broadcast_in_dim3A_0 : vector<16xf32> to vector<1x16xf32>
    tpu.vector_store %arg21[%swap3A_61, %swap3A_62], %swap3A_65 {strides = array<i32>} : memref<4x144xf32, #tpu.memory_space<vmem>>, vector<1x16xf32>,
    %swap3A_66 = arith.constant 1 : i32
    %swap3A_67 = arith.index_cast %swap3A_66 : i32 to index
    %swap3A_68 = arith.constant 32 : index
    %swap3A_69 = tpu.vector_load %arg21[%swap3A_67, %swap3A_68] {strides = array<i32>} : memref<4x144xf32, #tpu.memory_space<vmem>>, vector<1x16xf32>,
    %swap3A_70 = vector.shape_cast %swap3A_69 : vector<1x16xf32> to vector<16xf32>
    %swap3A_71 = vector.shape_cast %broadcast_in_dim3A_0 : vector<16xf32> to vector<1x16xf32>
    tpu.vector_store %arg21[%swap3A_67, %swap3A_68], %swap3A_71 {strides = array<i32>} : memref<4x144xf32, #tpu.memory_space<vmem>>, vector<1x16xf32>,
    %swap3A_72 = arith.constant 1 : i32
    %swap3A_73 = arith.index_cast %swap3A_72 : i32 to index
    %swap3A_74 = arith.constant 48 : index
    %swap3A_75 = tpu.vector_load %arg21[%swap3A_73, %swap3A_74] {strides = array<i32>} : memref<4x144xf32, #tpu.memory_space<vmem>>, vector<1x16xf32>,
    %swap3A_76 = vector.shape_cast %swap3A_75 : vector<1x16xf32> to vector<16xf32>
    %swap3A_77 = vector.shape_cast %broadcast_in_dim3A_0 : vector<16xf32> to vector<1x16xf32>
    tpu.vector_store %arg21[%swap3A_73, %swap3A_74], %swap3A_77 {strides = array<i32>} : memref<4x144xf32, #tpu.memory_space<vmem>>, vector<1x16xf32>,
    %swap3A_78 = arith.constant 1 : i32
    %swap3A_79 = arith.index_cast %swap3A_78 : i32 to index
    %swap3A_80 = arith.constant 64 : index
    %swap3A_81 = tpu.vector_load %arg21[%swap3A_79, %swap3A_80] {strides = array<i32>} : memref<4x144xf32, #tpu.memory_space<vmem>>, vector<1x16xf32>,
    %swap3A_82 = vector.shape_cast %swap3A_81 : vector<1x16xf32> to vector<16xf32>
    %swap3A_83 = vector.shape_cast %broadcast_in_dim3A_0 : vector<16xf32> to vector<1x16xf32>
    tpu.vector_store %arg21[%swap3A_79, %swap3A_80], %swap3A_83 {strides = array<i32>} : memref<4x144xf32, #tpu.memory_space<vmem>>, vector<1x16xf32>,
    %swap3A_84 = arith.constant 1 : i32
    %swap3A_85 = arith.index_cast %swap3A_84 : i32 to index
    %swap3A_86 = arith.constant 80 : index
    %swap3A_87 = tpu.vector_load %arg21[%swap3A_85, %swap3A_86] {strides = array<i32>} : memref<4x144xf32, #tpu.memory_space<vmem>>, vector<1x16xf32>,
    %swap3A_88 = vector.shape_cast %swap3A_87 : vector<1x16xf32> to vector<16xf32>
    %swap3A_89 = vector.shape_cast %broadcast_in_dim3A_0 : vector<16xf32> to vector<1x16xf32>
    tpu.vector_store %arg21[%swap3A_85, %swap3A_86], %swap3A_89 {strides = array<i32>} : memref<4x144xf32, #tpu.memory_space<vmem>>, vector<1x16xf32>,
    %swap3A_90 = arith.constant 1 : i32
    %swap3A_91 = arith.index_cast %swap3A_90 : i32 to index
    %swap3A_92 = arith.constant 96 : index
    %swap3A_93 = tpu.vector_load %arg21[%swap3A_91, %swap3A_92] {strides = array<i32>} : memref<4x144xf32, #tpu.memory_space<vmem>>, vector<1x16xf32>,
    %swap3A_94 = vector.shape_cast %swap3A_93 : vector<1x16xf32> to vector<16xf32>
    %swap3A_95 = vector.shape_cast %broadcast_in_dim3A_0 : vector<16xf32> to vector<1x16xf32>
    tpu.vector_store %arg21[%swap3A_91, %swap3A_92], %swap3A_95 {strides = array<i32>} : memref<4x144xf32, #tpu.memory_space<vmem>>, vector<1x16xf32>,
    %swap3A_96 = arith.constant 1 : i32
    %swap3A_97 = arith.index_cast %swap3A_96 : i32 to index
    %swap3A_98 = arith.constant 112 : index
    %swap3A_99 = tpu.vector_load %arg21[%swap3A_97, %swap3A_98] {strides = array<i32>} : memref<4x144xf32, #tpu.memory_space<vmem>>, vector<1x16xf32>,
    %swap3A_100 = vector.shape_cast %swap3A_99 : vector<1x16xf32> to vector<16xf32>
    %swap3A_101 = vector.shape_cast %broadcast_in_dim3A_0 : vector<16xf32> to vector<1x16xf32>
    tpu.vector_store %arg21[%swap3A_97, %swap3A_98], %swap3A_101 {strides = array<i32>} : memref<4x144xf32, #tpu.memory_space<vmem>>, vector<1x16xf32>,
    %swap3A_102 = arith.constant 1 : i32
    %swap3A_103 = arith.index_cast %swap3A_102 : i32 to index
    %swap3A_104 = arith.constant 128 : index
    %swap3A_105 = tpu.vector_load %arg21[%swap3A_103, %swap3A_104] {strides = array<i32>} : memref<4x144xf32, #tpu.memory_space<vmem>>, vector<1x16xf32>,
    %swap3A_106 = vector.shape_cast %swap3A_105 : vector<1x16xf32> to vector<16xf32>
    %swap3A_107 = vector.shape_cast %broadcast_in_dim3A_0 : vector<16xf32> to vector<1x16xf32>
    tpu.vector_store %arg21[%swap3A_103, %swap3A_104], %swap3A_107 {strides = array<i32>} : memref<4x144xf32, #tpu.memory_space<vmem>>, vector<1x16xf32>,
    %swap3A_108 = arith.constant 2 : i32
    %swap3A_109 = arith.index_cast %swap3A_108 : i32 to index
    %swap3A_110 = arith.constant 0 : index
    %swap3A_111 = tpu.vector_load %arg21[%swap3A_109, %swap3A_110] {strides = array<i32>} : memref<4x144xf32, #tpu.memory_space<vmem>>, vector<1x16xf32>,
    %swap3A_112 = vector.shape_cast %swap3A_111 : vector<1x16xf32> to vector<16xf32>
    %swap3A_113 = vector.shape_cast %broadcast_in_dim3A_0 : vector<16xf32> to vector<1x16xf32>
    tpu.vector_store %arg21[%swap3A_109, %swap3A_110], %swap3A_113 {strides = array<i32>} : memref<4x144xf32, #tpu.memory_space<vmem>>, vector<1x16xf32>,
    %swap3A_114 = arith.constant 2 : i32
    %swap3A_115 = arith.index_cast %swap3A_114 : i32 to index
    %swap3A_116 = arith.constant 16 : index
    %swap3A_117 = tpu.vector_load %arg21[%swap3A_115, %swap3A_116] {strides = array<i32>} : memref<4x144xf32, #tpu.memory_space<vmem>>, vector<1x16xf32>,
    %swap3A_118 = vector.shape_cast %swap3A_117 : vector<1x16xf32> to vector<16xf32>
    %swap3A_119 = vector.shape_cast %broadcast_in_dim3A_0 : vector<16xf32> to vector<1x16xf32>
    tpu.vector_store %arg21[%swap3A_115, %swap3A_116], %swap3A_119 {strides = array<i32>} : memref<4x144xf32, #tpu.memory_space<vmem>>, vector<1x16xf32>,
    %swap3A_120 = arith.constant 2 : i32
    %swap3A_121 = arith.index_cast %swap3A_120 : i32 to index
    %swap3A_122 = arith.constant 32 : index
    %swap3A_123 = tpu.vector_load %arg21[%swap3A_121, %swap3A_122] {strides = array<i32>} : memref<4x144xf32, #tpu.memory_space<vmem>>, vector<1x16xf32>,
    %swap3A_124 = vector.shape_cast %swap3A_123 : vector<1x16xf32> to vector<16xf32>
    %swap3A_125 = vector.shape_cast %broadcast_in_dim3A_0 : vector<16xf32> to vector<1x16xf32>
    tpu.vector_store %arg21[%swap3A_121, %swap3A_122], %swap3A_125 {strides = array<i32>} : memref<4x144xf32, #tpu.memory_space<vmem>>, vector<1x16xf32>,
    %swap3A_126 = arith.constant 2 : i32
    %swap3A_127 = arith.index_cast %swap3A_126 : i32 to index
    %swap3A_128 = arith.constant 48 : index
    %swap3A_129 = tpu.vector_load %arg21[%swap3A_127, %swap3A_128] {strides = array<i32>} : memref<4x144xf32, #tpu.memory_space<vmem>>, vector<1x16xf32>,
    %swap3A_130 = vector.shape_cast %swap3A_129 : vector<1x16xf32> to vector<16xf32>
    %swap3A_131 = vector.shape_cast %broadcast_in_dim3A_0 : vector<16xf32> to vector<1x16xf32>
    tpu.vector_store %arg21[%swap3A_127, %swap3A_128], %swap3A_131 {strides = array<i32>} : memref<4x144xf32, #tpu.memory_space<vmem>>, vector<1x16xf32>,
    %swap3A_132 = arith.constant 2 : i32
    %swap3A_133 = arith.index_cast %swap3A_132 : i32 to index
    %swap3A_134 = arith.constant 64 : index
    %swap3A_135 = tpu.vector_load %arg21[%swap3A_133, %swap3A_134] {strides = array<i32>} : memref<4x144xf32, #tpu.memory_space<vmem>>, vector<1x16xf32>,
    %swap3A_136 = vector.shape_cast %swap3A_135 : vector<1x16xf32> to vector<16xf32>
    %swap3A_137 = vector.shape_cast %broadcast_in_dim3A_0 : vector<16xf32> to vector<1x16xf32>
    tpu.vector_store %arg21[%swap3A_133, %swap3A_134], %swap3A_137 {strides = array<i32>} : memref<4x144xf32, #tpu.memory_space<vmem>>, vector<1x16xf32>,
    %swap3A_138 = arith.constant 2 : i32
    %swap3A_139 = arith.index_cast %swap3A_138 : i32 to index
    %swap3A_140 = arith.constant 80 : index
    %swap3A_141 = tpu.vector_load %arg21[%swap3A_139, %swap3A_140] {strides = array<i32>} : memref<4x144xf32, #tpu.memory_space<vmem>>, vector<1x16xf32>,
    %swap3A_142 = vector.shape_cast %swap3A_141 : vector<1x16xf32> to vector<16xf32>
    %swap3A_143 = vector.shape_cast %broadcast_in_dim3A_0 : vector<16xf32> to vector<1x16xf32>
    tpu.vector_store %arg21[%swap3A_139, %swap3A_140], %swap3A_143 {strides = array<i32>} : memref<4x144xf32, #tpu.memory_space<vmem>>, vector<1x16xf32>,
    %swap3A_144 = arith.constant 2 : i32
    %swap3A_145 = arith.index_cast %swap3A_144 : i32 to index
    %swap3A_146 = arith.constant 96 : index
    %swap3A_147 = tpu.vector_load %arg21[%swap3A_145, %swap3A_146] {strides = array<i32>} : memref<4x144xf32, #tpu.memory_space<vmem>>, vector<1x16xf32>,
    %swap3A_148 = vector.shape_cast %swap3A_147 : vector<1x16xf32> to vector<16xf32>
    %swap3A_149 = vector.shape_cast %broadcast_in_dim3A_0 : vector<16xf32> to vector<1x16xf32>
    tpu.vector_store %arg21[%swap3A_145, %swap3A_146], %swap3A_149 {strides = array<i32>} : memref<4x144xf32, #tpu.memory_space<vmem>>, vector<1x16xf32>,
    %swap3A_150 = arith.constant 2 : i32
    %swap3A_151 = arith.index_cast %swap3A_150 : i32 to index
    %swap3A_152 = arith.constant 112 : index
    %swap3A_153 = tpu.vector_load %arg21[%swap3A_151, %swap3A_152] {strides = array<i32>} : memref<4x144xf32, #tpu.memory_space<vmem>>, vector<1x16xf32>,
    %swap3A_154 = vector.shape_cast %swap3A_153 : vector<1x16xf32> to vector<16xf32>
    %swap3A_155 = vector.shape_cast %broadcast_in_dim3A_0 : vector<16xf32> to vector<1x16xf32>
    tpu.vector_store %arg21[%swap3A_151, %swap3A_152], %swap3A_155 {strides = array<i32>} : memref<4x144xf32, #tpu.memory_space<vmem>>, vector<1x16xf32>,
    %swap3A_156 = arith.constant 2 : i32
    %swap3A_157 = arith.index_cast %swap3A_156 : i32 to index
    %swap3A_158 = arith.constant 128 : index
    %swap3A_159 = tpu.vector_load %arg21[%swap3A_157, %swap3A_158] {strides = array<i32>} : memref<4x144xf32, #tpu.memory_space<vmem>>, vector<1x16xf32>,
    %swap3A_160 = vector.shape_cast %swap3A_159 : vector<1x16xf32> to vector<16xf32>
    %swap3A_161 = vector.shape_cast %broadcast_in_dim3A_0 : vector<16xf32> to vector<1x16xf32>
    tpu.vector_store %arg21[%swap3A_157, %swap3A_158], %swap3A_161 {strides = array<i32>} : memref<4x144xf32, #tpu.memory_space<vmem>>, vector<1x16xf32>,
    %swap3A_162 = arith.constant 3 : i32
    %swap3A_163 = arith.index_cast %swap3A_162 : i32 to index
    %swap3A_164 = arith.constant 0 : index
    %swap3A_165 = tpu.vector_load %arg21[%swap3A_163, %swap3A_164] {strides = array<i32>} : memref<4x144xf32, #tpu.memory_space<vmem>>, vector<1x16xf32>,
    %swap3A_166 = vector.shape_cast %swap3A_165 : vector<1x16xf32> to vector<16xf32>
    %swap3A_167 = vector.shape_cast %broadcast_in_dim3A_0 : vector<16xf32> to vector<1x16xf32>
    tpu.vector_store %arg21[%swap3A_163, %swap3A_164], %swap3A_167 {strides = array<i32>} : memref<4x144xf32, #tpu.memory_space<vmem>>, vector<1x16xf32>,
    %swap3A_168 = arith.constant 3 : i32
    %swap3A_169 = arith.index_cast %swap3A_168 : i32 to index
    %swap3A_170 = arith.constant 16 : index
    %swap3A_171 = tpu.vector_load %arg21[%swap3A_169, %swap3A_170] {strides = array<i32>} : memref<4x144xf32, #tpu.memory_space<vmem>>, vector<1x16xf32>,
    %swap3A_172 = vector.shape_cast %swap3A_171 : vector<1x16xf32> to vector<16xf32>
    %swap3A_173 = vector.shape_cast %broadcast_in_dim3A_0 : vector<16xf32> to vector<1x16xf32>
    tpu.vector_store %arg21[%swap3A_169, %swap3A_170], %swap3A_173 {strides = array<i32>} : memref<4x144xf32, #tpu.memory_space<vmem>>, vector<1x16xf32>,
    %swap3A_174 = arith.constant 3 : i32
    %swap3A_175 = arith.index_cast %swap3A_174 : i32 to index
    %swap3A_176 = arith.constant 32 : index
    %swap3A_177 = tpu.vector_load %arg21[%swap3A_175, %swap3A_176] {strides = array<i32>} : memref<4x144xf32, #tpu.memory_space<vmem>>, vector<1x16xf32>,
    %swap3A_178 = vector.shape_cast %swap3A_177 : vector<1x16xf32> to vector<16xf32>
    %swap3A_179 = vector.shape_cast %broadcast_in_dim3A_0 : vector<16xf32> to vector<1x16xf32>
    tpu.vector_store %arg21[%swap3A_175, %swap3A_176], %swap3A_179 {strides = array<i32>} : memref<4x144xf32, #tpu.memory_space<vmem>>, vector<1x16xf32>,
    %swap3A_180 = arith.constant 3 : i32
    %swap3A_181 = arith.index_cast %swap3A_180 : i32 to index
    %swap3A_182 = arith.constant 48 : index
    %swap3A_183 = tpu.vector_load %arg21[%swap3A_181, %swap3A_182] {strides = array<i32>} : memref<4x144xf32, #tpu.memory_space<vmem>>, vector<1x16xf32>,
    %swap3A_184 = vector.shape_cast %swap3A_183 : vector<1x16xf32> to vector<16xf32>
    %swap3A_185 = vector.shape_cast %broadcast_in_dim3A_0 : vector<16xf32> to vector<1x16xf32>
    tpu.vector_store %arg21[%swap3A_181, %swap3A_182], %swap3A_185 {strides = array<i32>} : memref<4x144xf32, #tpu.memory_space<vmem>>, vector<1x16xf32>,
    %swap3A_186 = arith.constant 3 : i32
    %swap3A_187 = arith.index_cast %swap3A_186 : i32 to index
    %swap3A_188 = arith.constant 64 : index
    %swap3A_189 = tpu.vector_load %arg21[%swap3A_187, %swap3A_188] {strides = array<i32>} : memref<4x144xf32, #tpu.memory_space<vmem>>, vector<1x16xf32>,
    %swap3A_190 = vector.shape_cast %swap3A_189 : vector<1x16xf32> to vector<16xf32>
    %swap3A_191 = vector.shape_cast %broadcast_in_dim3A_0 : vector<16xf32> to vector<1x16xf32>
    tpu.vector_store %arg21[%swap3A_187, %swap3A_188], %swap3A_191 {strides = array<i32>} : memref<4x144xf32, #tpu.memory_space<vmem>>, vector<1x16xf32>,
    %swap3A_192 = arith.constant 3 : i32
    %swap3A_193 = arith.index_cast %swap3A_192 : i32 to index
    %swap3A_194 = arith.constant 80 : index
    %swap3A_195 = tpu.vector_load %arg21[%swap3A_193, %swap3A_194] {strides = array<i32>} : memref<4x144xf32, #tpu.memory_space<vmem>>, vector<1x16xf32>,
    %swap3A_196 = vector.shape_cast %swap3A_195 : vector<1x16xf32> to vector<16xf32>
    %swap3A_197 = vector.shape_cast %broadcast_in_dim3A_0 : vector<16xf32> to vector<1x16xf32>
    tpu.vector_store %arg21[%swap3A_193, %swap3A_194], %swap3A_197 {strides = array<i32>} : memref<4x144xf32, #tpu.memory_space<vmem>>, vector<1x16xf32>,
    %swap3A_198 = arith.constant 3 : i32
    %swap3A_199 = arith.index_cast %swap3A_198 : i32 to index
    %swap3A_200 = arith.constant 96 : index
    %swap3A_201 = tpu.vector_load %arg21[%swap3A_199, %swap3A_200] {strides = array<i32>} : memref<4x144xf32, #tpu.memory_space<vmem>>, vector<1x16xf32>,
    %swap3A_202 = vector.shape_cast %swap3A_201 : vector<1x16xf32> to vector<16xf32>
    %swap3A_203 = vector.shape_cast %broadcast_in_dim3A_0 : vector<16xf32> to vector<1x16xf32>
    tpu.vector_store %arg21[%swap3A_199, %swap3A_200], %swap3A_203 {strides = array<i32>} : memref<4x144xf32, #tpu.memory_space<vmem>>, vector<1x16xf32>,
    %swap3A_204 = arith.constant 3 : i32
    %swap3A_205 = arith.index_cast %swap3A_204 : i32 to index
    %swap3A_206 = arith.constant 112 : index
    %swap3A_207 = tpu.vector_load %arg21[%swap3A_205, %swap3A_206] {strides = array<i32>} : memref<4x144xf32, #tpu.memory_space<vmem>>, vector<1x16xf32>,
    %swap3A_208 = vector.shape_cast %swap3A_207 : vector<1x16xf32> to vector<16xf32>
    %swap3A_209 = vector.shape_cast %broadcast_in_dim3A_0 : vector<16xf32> to vector<1x16xf32>
    tpu.vector_store %arg21[%swap3A_205, %swap3A_206], %swap3A_209 {strides = array<i32>} : memref<4x144xf32, #tpu.memory_space<vmem>>, vector<1x16xf32>,
    %swap3A_210 = arith.constant 3 : i32
    %swap3A_211 = arith.index_cast %swap3A_210 : i32 to index
    %swap3A_212 = arith.constant 128 : index
    %swap3A_213 = tpu.vector_load %arg21[%swap3A_211, %swap3A_212] {strides = array<i32>} : memref<4x144xf32, #tpu.memory_space<vmem>>, vector<1x16xf32>,
    %swap3A_214 = vector.shape_cast %swap3A_213 : vector<1x16xf32> to vector<16xf32>
    %swap3A_215 = vector.shape_cast %broadcast_in_dim3A_0 : vector<16xf32> to vector<1x16xf32>
    tpu.vector_store %arg21[%swap3A_211, %swap3A_212], %swap3A_215 {strides = array<i32>} : memref<4x144xf32, #tpu.memory_space<vmem>>, vector<1x16xf32>,
    %mul3A = arith.constant 628 : i32
    %mul3A_216 = arith.muli %arg1, %mul3A : i32
    %scan3A = arith.constant 0 : i32
    %scan3A_217 = arith.constant 157 : i32
    %scan3A_218 = arith.addi %scan3A, %scan3A_217 : i32
    %scan3A_219 = arith.constant 1 : i32
    scf.for %scan3A_229 = %scan3A to %scan3A_218 step %scan3A_219  : i32 {
      %mul3A_230 = arith.constant 1 : i32
      %mul3A_231 = arith.muli %scan3A_229, %mul3A_230 : i32
      %add3A_232 = arith.constant 0 : i32
      %add3A_233 = arith.addi %add3A_232, %mul3A_231 : i32
      %mul3A_234 = arith.constant 4 : i32
      %mul3A_235 = arith.muli %add3A_233, %mul3A_234 : i32
      %add3A_236 = arith.addi %mul3A_216, %mul3A_235 : i32
      "tpu.region"() ({
        %run_scoped3A = tpu.sem_alloc : memref<!tpu.dma_semaphore, #tpu.memory_space<semaphore_mem>>
        %dma_start3A = arith.constant 0 : i32
        %dma_start3A_237 = tpu.memref_slice %arg6[%add3A_236, %dma_start3A] : memref<10048x144xf32, #tpu.memory_space<vmem_shared>> -> memref<4x144xf32, #tpu.memory_space<vmem_shared>>
        %dma_start3A_238 = arith.constant 0 : i32
        %dma_start3A_239 = tpu.memref_slice %arg6[%add3A_236, %dma_start3A_238] : memref<10048x144xf32, #tpu.memory_space<vmem_shared>> -> memref<4x144xf32, #tpu.memory_space<vmem_shared>>
        tpu.enqueue_dma source(%arg21 : memref<4x144xf32, #tpu.memory_space<vmem>>) target(%dma_start3A_239 : memref<4x144xf32, #tpu.memory_space<vmem_shared>>) target_semaphore(%run_scoped3A : memref<!tpu.dma_semaphore, #tpu.memory_space<semaphore_mem>>)
        %dma_wait3A = arith.constant 0 : i32
        %dma_wait3A_240 = tpu.memref_slice %arg6[%add3A_236, %dma_wait3A] : memref<10048x144xf32, #tpu.memory_space<vmem_shared>> -> memref<4x144xf32, #tpu.memory_space<vmem_shared>>
        %dma_wait3A_241 = arith.constant 0 : i32
        %dma_wait3A_242 = tpu.memref_slice %arg6[%add3A_236, %dma_wait3A_241] : memref<10048x144xf32, #tpu.memory_space<vmem_shared>> -> memref<4x144xf32, #tpu.memory_space<vmem_shared>>
        tpu.wait_dma2 semaphore(%run_scoped3A : memref<!tpu.dma_semaphore, #tpu.memory_space<semaphore_mem>>) src(%arg21 : memref<4x144xf32, #tpu.memory_space<vmem>>) dst(%dma_wait3A_242 : memref<4x144xf32, #tpu.memory_space<vmem_shared>>)
        tpu.yield
      }) : () -> ()
    }
    %scan3A_220 = arith.constant 157 : i32
    %barrier3A = arith.constant 0 : index
    tpu.barrier barrier_id(%barrier3A)
    %scan3A_221 = arith.constant 0 : i32
    %scan3A_222 = arith.constant 10 : i32
    %scan3A_223 = arith.addi %scan3A_221, %scan3A_222 : i32
    %scan3A_224 = arith.constant 1 : i32
    scf.for %scan3A_229 = %scan3A_221 to %scan3A_223 step %scan3A_224  : i32 {
      %mul3A_230 = arith.constant 1 : i32
      %mul3A_231 = arith.muli %scan3A_229, %mul3A_230 : i32
      %add3A_232 = arith.constant 0 : i32
      %add3A_233 = arith.addi %add3A_232, %mul3A_231 : i32
      %mul3A_234 = arith.constant 16 : i32
      %mul3A_235 = arith.muli %add3A_233, %mul3A_234 : i32
      %mul3A_236 = arith.constant 2560 : i32
      %mul3A_237 = arith.muli %arg0, %mul3A_236 : i32
      %mul3A_238 = arith.constant 160 : i32
      %mul3A_239 = arith.muli %arg1, %mul3A_238 : i32
      %add3A_240 = arith.addi %mul3A_237, %mul3A_239 : i32
      %add3A_241 = arith.addi %add3A_240, %mul3A_235 : i32
      "tpu.region"() ({
        %run_scoped3A = tpu.sem_alloc : memref<!tpu.dma_semaphore, #tpu.memory_space<semaphore_mem>>
        %dma_start3A_304 = arith.constant 0 : i32
        %dma_start3A_305 = tpu.memref_slice %arg3[%add3A_241, %dma_start3A_304] : memref<5120x64xi32, #tpu.memory_space<hbm>> -> memref<16x64xi32, #tpu.memory_space<hbm>>
        %dma_start3A_306 = arith.constant 0 : i32
        %dma_start3A_307 = tpu.memref_slice %arg3[%add3A_241, %dma_start3A_306] : memref<5120x64xi32, #tpu.memory_space<hbm>> -> memref<16x64xi32, #tpu.memory_space<hbm>>
        tpu.enqueue_dma source(%dma_start3A_307 : memref<16x64xi32, #tpu.memory_space<hbm>>) target(%arg7 : memref<16x64xi32, #tpu.memory_space<vmem>>) target_semaphore(%run_scoped3A : memref<!tpu.dma_semaphore, #tpu.memory_space<semaphore_mem>>)
        %dma_wait3A_308 = arith.constant 0 : i32
        %dma_wait3A_309 = tpu.memref_slice %arg3[%add3A_241, %dma_wait3A_308] : memref<5120x64xi32, #tpu.memory_space<hbm>> -> memref<16x64xi32, #tpu.memory_space<hbm>>
        %dma_wait3A_310 = arith.constant 0 : i32
        %dma_wait3A_311 = tpu.memref_slice %arg3[%add3A_241, %dma_wait3A_310] : memref<5120x64xi32, #tpu.memory_space<hbm>> -> memref<16x64xi32, #tpu.memory_space<hbm>>
        tpu.wait_dma2 semaphore(%run_scoped3A : memref<!tpu.dma_semaphore, #tpu.memory_space<semaphore_mem>>) src(%dma_wait3A_311 : memref<16x64xi32, #tpu.memory_space<hbm>>) dst(%arg7 : memref<16x64xi32, #tpu.memory_space<vmem>>)
        tpu.yield
      }) : () -> ()
      %mul3A_242 = arith.constant 160 : i32
      %mul3A_243 = arith.muli %arg1, %mul3A_242 : i32
      %add3A_244 = arith.addi %mul3A_243, %mul3A_235 : i32
      "tpu.region"() ({
        %run_scoped3A = tpu.sem_alloc : memref<!tpu.dma_semaphore, #tpu.memory_space<semaphore_mem>>
        %dma_start3A_304 = arith.constant 0 : i32
        %dma_start3A_305 = tpu.memref_slice %arg4[%add3A_244, %dma_start3A_304] : memref<2560x64xi32, #tpu.memory_space<hbm>> -> memref<16x64xi32, #tpu.memory_space<hbm>>
        %dma_start3A_306 = arith.constant 0 : i32
        %dma_start3A_307 = tpu.memref_slice %arg4[%add3A_244, %dma_start3A_306] : memref<2560x64xi32, #tpu.memory_space<hbm>> -> memref<16x64xi32, #tpu.memory_space<hbm>>
        tpu.enqueue_dma source(%dma_start3A_307 : memref<16x64xi32, #tpu.memory_space<hbm>>) target(%arg8 : memref<16x64xi32, #tpu.memory_space<vmem>>) target_semaphore(%run_scoped3A : memref<!tpu.dma_semaphore, #tpu.memory_space<semaphore_mem>>)
        %dma_wait3A_308 = arith.constant 0 : i32
        %dma_wait3A_309 = tpu.memref_slice %arg4[%add3A_244, %dma_wait3A_308] : memref<2560x64xi32, #tpu.memory_space<hbm>> -> memref<16x64xi32, #tpu.memory_space<hbm>>
        %dma_wait3A_310 = arith.constant 0 : i32
        %dma_wait3A_311 = tpu.memref_slice %arg4[%add3A_244, %dma_wait3A_310] : memref<2560x64xi32, #tpu.memory_space<hbm>> -> memref<16x64xi32, #tpu.memory_space<hbm>>
        tpu.wait_dma2 semaphore(%run_scoped3A : memref<!tpu.dma_semaphore, #tpu.memory_space<semaphore_mem>>) src(%dma_wait3A_311 : memref<16x64xi32, #tpu.memory_space<hbm>>) dst(%arg8 : memref<16x64xi32, #tpu.memory_space<vmem>>)
        tpu.yield
      }) : () -> ()
      %dma_start3A = arith.constant 0 : i32
      %dma_start3A_245 = arith.constant 0 : i32
      %dma_start3A_246 = tpu.memref_slice %arg7[%dma_start3A, %dma_start3A_245] : memref<16x64xi32, #tpu.memory_space<vmem>> -> memref<1x64xi32, #tpu.memory_space<vmem>>
      %dma_start3A_247 = tpu.memref_squeeze %dma_start3A_246 : memref<1x64xi32, #tpu.memory_space<vmem>> -> memref<64xi32, #tpu.memory_space<vmem>>
      %dma_start3A_248 = arith.constant 0 : i32
      %dma_start3A_249 = arith.constant 0 : i32
      %dma_start3A_250 = tpu.memref_slice %arg2[%dma_start3A_248, %dma_start3A_249] : memref<20000x144xf32, #tpu.memory_space<hbm>> -> memref<20000x144xf32, #tpu.memory_space<hbm>>
      tpu.enqueue_indirect_dma source(%dma_start3A_250 : memref<20000x144xf32, #tpu.memory_space<hbm>>) target(%arg9 : memref<64x144xf32, #tpu.memory_space<vmem>>) offsets(%dma_start3A_247 : memref<64xi32, #tpu.memory_space<vmem>>) semaphore(%arg13 : memref<!tpu.dma_semaphore, #tpu.memory_space<semaphore_mem>>)
      %dma_start3A_251 = arith.constant 1 : i32
      %dma_start3A_252 = arith.constant 0 : i32
      %dma_start3A_253 = tpu.memref_slice %arg7[%dma_start3A_251, %dma_start3A_252] : memref<16x64xi32, #tpu.memory_space<vmem>> -> memref<1x64xi32, #tpu.memory_space<vmem>>
      %dma_start3A_254 = tpu.memref_squeeze %dma_start3A_253 : memref<1x64xi32, #tpu.memory_space<vmem>> -> memref<64xi32, #tpu.memory_space<vmem>>
      %dma_start3A_255 = arith.constant 0 : i32
      %dma_start3A_256 = arith.constant 0 : i32
      %dma_start3A_257 = tpu.memref_slice %arg2[%dma_start3A_255, %dma_start3A_256] : memref<20000x144xf32, #tpu.memory_space<hbm>> -> memref<20000x144xf32, #tpu.memory_space<hbm>>
      tpu.enqueue_indirect_dma source(%dma_start3A_257 : memref<20000x144xf32, #tpu.memory_space<hbm>>) target(%arg10 : memref<64x144xf32, #tpu.memory_space<vmem>>) offsets(%dma_start3A_254 : memref<64xi32, #tpu.memory_space<vmem>>) semaphore(%arg14 : memref<!tpu.dma_semaphore, #tpu.memory_space<semaphore_mem>>)
      %dma_start3A_258 = arith.constant 2 : i32
      %dma_start3A_259 = arith.constant 0 : i32
      %dma_start3A_260 = tpu.memref_slice %arg7[%dma_start3A_258, %dma_start3A_259] : memref<16x64xi32, #tpu.memory_space<vmem>> -> memref<1x64xi32, #tpu.memory_space<vmem>>
      %dma_start3A_261 = tpu.memref_squeeze %dma_start3A_260 : memref<1x64xi32, #tpu.memory_space<vmem>> -> memref<64xi32, #tpu.memory_space<vmem>>
      %dma_start3A_262 = arith.constant 0 : i32
      %dma_start3A_263 = arith.constant 0 : i32
      %dma_start3A_264 = tpu.memref_slice %arg2[%dma_start3A_262, %dma_start3A_263] : memref<20000x144xf32, #tpu.memory_space<hbm>> -> memref<20000x144xf32, #tpu.memory_space<hbm>>
      tpu.enqueue_indirect_dma source(%dma_start3A_264 : memref<20000x144xf32, #tpu.memory_space<hbm>>) target(%arg11 : memref<64x144xf32, #tpu.memory_space<vmem>>) offsets(%dma_start3A_261 : memref<64xi32, #tpu.memory_space<vmem>>) semaphore(%arg15 : memref<!tpu.dma_semaphore, #tpu.memory_space<semaphore_mem>>)
      %dma_start3A_265 = arith.constant 3 : i32
      %dma_start3A_266 = arith.constant 0 : i32
      %dma_start3A_267 = tpu.memref_slice %arg7[%dma_start3A_265, %dma_start3A_266] : memref<16x64xi32, #tpu.memory_space<vmem>> -> memref<1x64xi32, #tpu.memory_space<vmem>>
      %dma_start3A_268 = tpu.memref_squeeze %dma_start3A_267 : memref<1x64xi32, #tpu.memory_space<vmem>> -> memref<64xi32, #tpu.memory_space<vmem>>
      %dma_start3A_269 = arith.constant 0 : i32
      %dma_start3A_270 = arith.constant 0 : i32
      %dma_start3A_271 = tpu.memref_slice %arg2[%dma_start3A_269, %dma_start3A_270] : memref<20000x144xf32, #tpu.memory_space<hbm>> -> memref<20000x144xf32, #tpu.memory_space<hbm>>
      tpu.enqueue_indirect_dma source(%dma_start3A_271 : memref<20000x144xf32, #tpu.memory_space<hbm>>) target(%arg12 : memref<64x144xf32, #tpu.memory_space<vmem>>) offsets(%dma_start3A_268 : memref<64xi32, #tpu.memory_space<vmem>>) semaphore(%arg16 : memref<!tpu.dma_semaphore, #tpu.memory_space<semaphore_mem>>)
      %scan3A_272 = arith.constant 0 : i32
      %scan3A_273 = arith.constant 4 : i32
      %scan3A_274 = arith.addi %scan3A_272, %scan3A_273 : i32
      %scan3A_275 = arith.constant 1 : i32
      scf.for %scan3A_304 = %scan3A_272 to %scan3A_274 step %scan3A_275  : i32 {
        %mul3A_305 = arith.constant 1 : i32
        %mul3A_306 = arith.muli %scan3A_304, %mul3A_305 : i32
        %add3A_307 = arith.constant 0 : i32
        %add3A_308 = arith.addi %add3A_307, %mul3A_306 : i32
        %mul3A_309 = arith.constant 4 : i32
        %mul3A_310 = arith.muli %add3A_308, %mul3A_309 : i32
        %add3A_311 = arith.constant 0 : i32
        %add3A_312 = arith.addi %mul3A_310, %add3A_311 : i32
        %dma_wait3A_313 = arith.constant 0 : i32
        %dma_wait3A_314 = tpu.memref_slice %arg7[%add3A_312, %dma_wait3A_313] : memref<16x64xi32, #tpu.memory_space<vmem>> -> memref<1x64xi32, #tpu.memory_space<vmem>>
        %dma_wait3A_315 = tpu.memref_squeeze %dma_wait3A_314 : memref<1x64xi32, #tpu.memory_space<vmem>> -> memref<64xi32, #tpu.memory_space<vmem>>
        %dma_wait3A_316 = arith.constant 0 : i32
        %dma_wait3A_317 = arith.constant 0 : i32
        %dma_wait3A_318 = tpu.memref_slice %arg2[%dma_wait3A_316, %dma_wait3A_317] : memref<20000x144xf32, #tpu.memory_space<hbm>> -> memref<20000x144xf32, #tpu.memory_space<hbm>>
        tpu.wait_indirect_dma semaphore(%arg13 : memref<!tpu.dma_semaphore, #tpu.memory_space<semaphore_mem>>) src(%dma_wait3A_318 : memref<20000x144xf32, #tpu.memory_space<hbm>>) dst(%arg9 : memref<64x144xf32, #tpu.memory_space<vmem>>)
        %add3A_319 = arith.constant 0 : i32
        %add3A_320 = arith.addi %mul3A_310, %add3A_319 : i32
        %dma_start3A_321 = arith.constant 0 : i32
        %dma_start3A_322 = tpu.memref_slice %arg8[%add3A_320, %dma_start3A_321] : memref<16x64xi32, #tpu.memory_space<vmem>> -> memref<1x64xi32, #tpu.memory_space<vmem>>
        %dma_start3A_323 = tpu.memref_squeeze %dma_start3A_322 : memref<1x64xi32, #tpu.memory_space<vmem>> -> memref<64xi32, #tpu.memory_space<vmem>>
        %dma_start3A_324 = arith.constant 0 : i32
        %dma_start3A_325 = arith.constant 0 : i32
        %dma_start3A_326 = tpu.memref_slice %arg6[%dma_start3A_324, %dma_start3A_325] : memref<10048x144xf32, #tpu.memory_space<vmem_shared>> -> memref<10048x144xf32, #tpu.memory_space<vmem_shared>>
        tpu.enqueue_indirect_dma source(%arg9 : memref<64x144xf32, #tpu.memory_space<vmem>>) target(%dma_start3A_326 : memref<10048x144xf32, #tpu.memory_space<vmem_shared>>) offsets(%dma_start3A_323 : memref<64xi32, #tpu.memory_space<vmem>>) semaphore(%arg17 : memref<!tpu.dma_semaphore, #tpu.memory_space<semaphore_mem>>) {add = true}
        %add3A_327 = arith.constant 1 : i32
        %add3A_328 = arith.addi %mul3A_310, %add3A_327 : i32
        %dma_wait3A_329 = arith.constant 0 : i32
        %dma_wait3A_330 = tpu.memref_slice %arg7[%add3A_328, %dma_wait3A_329] : memref<16x64xi32, #tpu.memory_space<vmem>> -> memref<1x64xi32, #tpu.memory_space<vmem>>
        %dma_wait3A_331 = tpu.memref_squeeze %dma_wait3A_330 : memref<1x64xi32, #tpu.memory_space<vmem>> -> memref<64xi32, #tpu.memory_space<vmem>>
        %dma_wait3A_332 = arith.constant 0 : i32
        %dma_wait3A_333 = arith.constant 0 : i32
        %dma_wait3A_334 = tpu.memref_slice %arg2[%dma_wait3A_332, %dma_wait3A_333] : memref<20000x144xf32, #tpu.memory_space<hbm>> -> memref<20000x144xf32, #tpu.memory_space<hbm>>
        tpu.wait_indirect_dma semaphore(%arg14 : memref<!tpu.dma_semaphore, #tpu.memory_space<semaphore_mem>>) src(%dma_wait3A_334 : memref<20000x144xf32, #tpu.memory_space<hbm>>) dst(%arg10 : memref<64x144xf32, #tpu.memory_space<vmem>>)
        %add3A_335 = arith.constant 1 : i32
        %add3A_336 = arith.addi %mul3A_310, %add3A_335 : i32
        %dma_start3A_337 = arith.constant 0 : i32
        %dma_start3A_338 = tpu.memref_slice %arg8[%add3A_336, %dma_start3A_337] : memref<16x64xi32, #tpu.memory_space<vmem>> -> memref<1x64xi32, #tpu.memory_space<vmem>>
        %dma_start3A_339 = tpu.memref_squeeze %dma_start3A_338 : memref<1x64xi32, #tpu.memory_space<vmem>> -> memref<64xi32, #tpu.memory_space<vmem>>
        %dma_start3A_340 = arith.constant 0 : i32
        %dma_start3A_341 = arith.constant 0 : i32
        %dma_start3A_342 = tpu.memref_slice %arg6[%dma_start3A_340, %dma_start3A_341] : memref<10048x144xf32, #tpu.memory_space<vmem_shared>> -> memref<10048x144xf32, #tpu.memory_space<vmem_shared>>
        tpu.enqueue_indirect_dma source(%arg10 : memref<64x144xf32, #tpu.memory_space<vmem>>) target(%dma_start3A_342 : memref<10048x144xf32, #tpu.memory_space<vmem_shared>>) offsets(%dma_start3A_339 : memref<64xi32, #tpu.memory_space<vmem>>) semaphore(%arg18 : memref<!tpu.dma_semaphore, #tpu.memory_space<semaphore_mem>>) {add = true}
        %add3A_343 = arith.constant 2 : i32
        %add3A_344 = arith.addi %mul3A_310, %add3A_343 : i32
        %dma_wait3A_345 = arith.constant 0 : i32
        %dma_wait3A_346 = tpu.memref_slice %arg7[%add3A_344, %dma_wait3A_345] : memref<16x64xi32, #tpu.memory_space<vmem>> -> memref<1x64xi32, #tpu.memory_space<vmem>>
        %dma_wait3A_347 = tpu.memref_squeeze %dma_wait3A_346 : memref<1x64xi32, #tpu.memory_space<vmem>> -> memref<64xi32, #tpu.memory_space<vmem>>
        %dma_wait3A_348 = arith.constant 0 : i32
        %dma_wait3A_349 = arith.constant 0 : i32
        %dma_wait3A_350 = tpu.memref_slice %arg2[%dma_wait3A_348, %dma_wait3A_349] : memref<20000x144xf32, #tpu.memory_space<hbm>> -> memref<20000x144xf32, #tpu.memory_space<hbm>>
        tpu.wait_indirect_dma semaphore(%arg15 : memref<!tpu.dma_semaphore, #tpu.memory_space<semaphore_mem>>) src(%dma_wait3A_350 : memref<20000x144xf32, #tpu.memory_space<hbm>>) dst(%arg11 : memref<64x144xf32, #tpu.memory_space<vmem>>)
        %add3A_351 = arith.constant 2 : i32
        %add3A_352 = arith.addi %mul3A_310, %add3A_351 : i32
        %dma_start3A_353 = arith.constant 0 : i32
        %dma_start3A_354 = tpu.memref_slice %arg8[%add3A_352, %dma_start3A_353] : memref<16x64xi32, #tpu.memory_space<vmem>> -> memref<1x64xi32, #tpu.memory_space<vmem>>
        %dma_start3A_355 = tpu.memref_squeeze %dma_start3A_354 : memref<1x64xi32, #tpu.memory_space<vmem>> -> memref<64xi32, #tpu.memory_space<vmem>>
        %dma_start3A_356 = arith.constant 0 : i32
        %dma_start3A_357 = arith.constant 0 : i32
        %dma_start3A_358 = tpu.memref_slice %arg6[%dma_start3A_356, %dma_start3A_357] : memref<10048x144xf32, #tpu.memory_space<vmem_shared>> -> memref<10048x144xf32, #tpu.memory_space<vmem_shared>>
        tpu.enqueue_indirect_dma source(%arg11 : memref<64x144xf32, #tpu.memory_space<vmem>>) target(%dma_start3A_358 : memref<10048x144xf32, #tpu.memory_space<vmem_shared>>) offsets(%dma_start3A_355 : memref<64xi32, #tpu.memory_space<vmem>>) semaphore(%arg19 : memref<!tpu.dma_semaphore, #tpu.memory_space<semaphore_mem>>) {add = true}
        %add3A_359 = arith.constant 3 : i32
        %add3A_360 = arith.addi %mul3A_310, %add3A_359 : i32
        %dma_wait3A_361 = arith.constant 0 : i32
        %dma_wait3A_362 = tpu.memref_slice %arg7[%add3A_360, %dma_wait3A_361] : memref<16x64xi32, #tpu.memory_space<vmem>> -> memref<1x64xi32, #tpu.memory_space<vmem>>
        %dma_wait3A_363 = tpu.memref_squeeze %dma_wait3A_362 : memref<1x64xi32, #tpu.memory_space<vmem>> -> memref<64xi32, #tpu.memory_space<vmem>>
        %dma_wait3A_364 = arith.constant 0 : i32
        %dma_wait3A_365 = arith.constant 0 : i32
        %dma_wait3A_366 = tpu.memref_slice %arg2[%dma_wait3A_364, %dma_wait3A_365] : memref<20000x144xf32, #tpu.memory_space<hbm>> -> memref<20000x144xf32, #tpu.memory_space<hbm>>
        tpu.wait_indirect_dma semaphore(%arg16 : memref<!tpu.dma_semaphore, #tpu.memory_space<semaphore_mem>>) src(%dma_wait3A_366 : memref<20000x144xf32, #tpu.memory_space<hbm>>) dst(%arg12 : memref<64x144xf32, #tpu.memory_space<vmem>>)
        %add3A_367 = arith.constant 3 : i32
        %add3A_368 = arith.addi %mul3A_310, %add3A_367 : i32
        %dma_start3A_369 = arith.constant 0 : i32
        %dma_start3A_370 = tpu.memref_slice %arg8[%add3A_368, %dma_start3A_369] : memref<16x64xi32, #tpu.memory_space<vmem>> -> memref<1x64xi32, #tpu.memory_space<vmem>>
        %dma_start3A_371 = tpu.memref_squeeze %dma_start3A_370 : memref<1x64xi32, #tpu.memory_space<vmem>> -> memref<64xi32, #tpu.memory_space<vmem>>
        %dma_start3A_372 = arith.constant 0 : i32
        %dma_start3A_373 = arith.constant 0 : i32
        %dma_start3A_374 = tpu.memref_slice %arg6[%dma_start3A_372, %dma_start3A_373] : memref<10048x144xf32, #tpu.memory_space<vmem_shared>> -> memref<10048x144xf32, #tpu.memory_space<vmem_shared>>
        tpu.enqueue_indirect_dma source(%arg12 : memref<64x144xf32, #tpu.memory_space<vmem>>) target(%dma_start3A_374 : memref<10048x144xf32, #tpu.memory_space<vmem_shared>>) offsets(%dma_start3A_371 : memref<64xi32, #tpu.memory_space<vmem>>) semaphore(%arg20 : memref<!tpu.dma_semaphore, #tpu.memory_space<semaphore_mem>>) {add = true}
        %add3A_375 = arith.constant 4 : i32
        %add3A_376 = arith.addi %mul3A_310, %add3A_375 : i32
        %add3A_377 = arith.constant 0 : i32
        %add3A_378 = arith.addi %add3A_376, %add3A_377 : i32
        %lt3A = arith.constant 16 : i32
        %lt3A_379 = arith.cmpi slt, %add3A_378, %lt3A : i32
        %convert_element_type3A = arith.extui %lt3A_379 : i1 to i32
        %cond3A = arith.constant 0 : i32
        %cond3A_380 = arith.cmpi ne, %convert_element_type3A, %cond3A : i32
        scf.if %cond3A_380 {
          %dma_wait3A_408 = arith.constant 0 : i32
          %dma_wait3A_409 = tpu.memref_slice %arg8[%add3A_378, %dma_wait3A_408] : memref<16x64xi32, #tpu.memory_space<vmem>> -> memref<1x64xi32, #tpu.memory_space<vmem>>
          %dma_wait3A_410 = tpu.memref_squeeze %dma_wait3A_409 : memref<1x64xi32, #tpu.memory_space<vmem>> -> memref<64xi32, #tpu.memory_space<vmem>>
          %dma_wait3A_411 = arith.constant 0 : i32
          %dma_wait3A_412 = arith.constant 0 : i32
          %dma_wait3A_413 = tpu.memref_slice %arg6[%dma_wait3A_411, %dma_wait3A_412] : memref<10048x144xf32, #tpu.memory_space<vmem_shared>> -> memref<10048x144xf32, #tpu.memory_space<vmem_shared>>
          tpu.wait_indirect_dma semaphore(%arg17 : memref<!tpu.dma_semaphore, #tpu.memory_space<semaphore_mem>>) src(%arg9 : memref<64x144xf32, #tpu.memory_space<vmem>>) dst(%dma_wait3A_413 : memref<10048x144xf32, #tpu.memory_space<vmem_shared>>)
          %dma_start3A_414 = arith.constant 0 : i32
          %dma_start3A_415 = tpu.memref_slice %arg7[%add3A_378, %dma_start3A_414] : memref<16x64xi32, #tpu.memory_space<vmem>> -> memref<1x64xi32, #tpu.memory_space<vmem>>
          %dma_start3A_416 = tpu.memref_squeeze %dma_start3A_415 : memref<1x64xi32, #tpu.memory_space<vmem>> -> memref<64xi32, #tpu.memory_space<vmem>>
          %dma_start3A_417 = arith.constant 0 : i32
          %dma_start3A_418 = arith.constant 0 : i32
          %dma_start3A_419 = tpu.memref_slice %arg2[%dma_start3A_417, %dma_start3A_418] : memref<20000x144xf32, #tpu.memory_space<hbm>> -> memref<20000x144xf32, #tpu.memory_space<hbm>>
          tpu.enqueue_indirect_dma source(%dma_start3A_419 : memref<20000x144xf32, #tpu.memory_space<hbm>>) target(%arg9 : memref<64x144xf32, #tpu.memory_space<vmem>>) offsets(%dma_start3A_416 : memref<64xi32, #tpu.memory_space<vmem>>) semaphore(%arg13 : memref<!tpu.dma_semaphore, #tpu.memory_space<semaphore_mem>>)
        } else {
        }
        %add3A_381 = arith.constant 4 : i32
        %add3A_382 = arith.addi %mul3A_310, %add3A_381 : i32
        %add3A_383 = arith.constant 1 : i32
        %add3A_384 = arith.addi %add3A_382, %add3A_383 : i32
        %lt3A_385 = arith.constant 16 : i32
        %lt3A_386 = arith.cmpi slt, %add3A_384, %lt3A_385 : i32
        %convert_element_type3A_387 = arith.extui %lt3A_386 : i1 to i32
        %cond3A_388 = arith.constant 0 : i32
        %cond3A_389 = arith.cmpi ne, %convert_element_type3A_387, %cond3A_388 : i32
        scf.if %cond3A_389 {
          %dma_wait3A_408 = arith.constant 0 : i32
          %dma_wait3A_409 = tpu.memref_slice %arg8[%add3A_384, %dma_wait3A_408] : memref<16x64xi32, #tpu.memory_space<vmem>> -> memref<1x64xi32, #tpu.memory_space<vmem>>
          %dma_wait3A_410 = tpu.memref_squeeze %dma_wait3A_409 : memref<1x64xi32, #tpu.memory_space<vmem>> -> memref<64xi32, #tpu.memory_space<vmem>>
          %dma_wait3A_411 = arith.constant 0 : i32
          %dma_wait3A_412 = arith.constant 0 : i32
          %dma_wait3A_413 = tpu.memref_slice %arg6[%dma_wait3A_411, %dma_wait3A_412] : memref<10048x144xf32, #tpu.memory_space<vmem_shared>> -> memref<10048x144xf32, #tpu.memory_space<vmem_shared>>
          tpu.wait_indirect_dma semaphore(%arg18 : memref<!tpu.dma_semaphore, #tpu.memory_space<semaphore_mem>>) src(%arg10 : memref<64x144xf32, #tpu.memory_space<vmem>>) dst(%dma_wait3A_413 : memref<10048x144xf32, #tpu.memory_space<vmem_shared>>)
          %dma_start3A_414 = arith.constant 0 : i32
          %dma_start3A_415 = tpu.memref_slice %arg7[%add3A_384, %dma_start3A_414] : memref<16x64xi32, #tpu.memory_space<vmem>> -> memref<1x64xi32, #tpu.memory_space<vmem>>
          %dma_start3A_416 = tpu.memref_squeeze %dma_start3A_415 : memref<1x64xi32, #tpu.memory_space<vmem>> -> memref<64xi32, #tpu.memory_space<vmem>>
          %dma_start3A_417 = arith.constant 0 : i32
          %dma_start3A_418 = arith.constant 0 : i32
          %dma_start3A_419 = tpu.memref_slice %arg2[%dma_start3A_417, %dma_start3A_418] : memref<20000x144xf32, #tpu.memory_space<hbm>> -> memref<20000x144xf32, #tpu.memory_space<hbm>>
          tpu.enqueue_indirect_dma source(%dma_start3A_419 : memref<20000x144xf32, #tpu.memory_space<hbm>>) target(%arg10 : memref<64x144xf32, #tpu.memory_space<vmem>>) offsets(%dma_start3A_416 : memref<64xi32, #tpu.memory_space<vmem>>) semaphore(%arg14 : memref<!tpu.dma_semaphore, #tpu.memory_space<semaphore_mem>>)
        } else {
        }
        %add3A_390 = arith.constant 4 : i32
        %add3A_391 = arith.addi %mul3A_310, %add3A_390 : i32
        %add3A_392 = arith.constant 2 : i32
        %add3A_393 = arith.addi %add3A_391, %add3A_392 : i32
        %lt3A_394 = arith.constant 16 : i32
        %lt3A_395 = arith.cmpi slt, %add3A_393, %lt3A_394 : i32
        %convert_element_type3A_396 = arith.extui %lt3A_395 : i1 to i32
        %cond3A_397 = arith.constant 0 : i32
        %cond3A_398 = arith.cmpi ne, %convert_element_type3A_396, %cond3A_397 : i32
        scf.if %cond3A_398 {
          %dma_wait3A_408 = arith.constant 0 : i32
          %dma_wait3A_409 = tpu.memref_slice %arg8[%add3A_393, %dma_wait3A_408] : memref<16x64xi32, #tpu.memory_space<vmem>> -> memref<1x64xi32, #tpu.memory_space<vmem>>
          %dma_wait3A_410 = tpu.memref_squeeze %dma_wait3A_409 : memref<1x64xi32, #tpu.memory_space<vmem>> -> memref<64xi32, #tpu.memory_space<vmem>>
          %dma_wait3A_411 = arith.constant 0 : i32
          %dma_wait3A_412 = arith.constant 0 : i32
          %dma_wait3A_413 = tpu.memref_slice %arg6[%dma_wait3A_411, %dma_wait3A_412] : memref<10048x144xf32, #tpu.memory_space<vmem_shared>> -> memref<10048x144xf32, #tpu.memory_space<vmem_shared>>
          tpu.wait_indirect_dma semaphore(%arg19 : memref<!tpu.dma_semaphore, #tpu.memory_space<semaphore_mem>>) src(%arg11 : memref<64x144xf32, #tpu.memory_space<vmem>>) dst(%dma_wait3A_413 : memref<10048x144xf32, #tpu.memory_space<vmem_shared>>)
          %dma_start3A_414 = arith.constant 0 : i32
          %dma_start3A_415 = tpu.memref_slice %arg7[%add3A_393, %dma_start3A_414] : memref<16x64xi32, #tpu.memory_space<vmem>> -> memref<1x64xi32, #tpu.memory_space<vmem>>
          %dma_start3A_416 = tpu.memref_squeeze %dma_start3A_415 : memref<1x64xi32, #tpu.memory_space<vmem>> -> memref<64xi32, #tpu.memory_space<vmem>>
          %dma_start3A_417 = arith.constant 0 : i32
          %dma_start3A_418 = arith.constant 0 : i32
          %dma_start3A_419 = tpu.memref_slice %arg2[%dma_start3A_417, %dma_start3A_418] : memref<20000x144xf32, #tpu.memory_space<hbm>> -> memref<20000x144xf32, #tpu.memory_space<hbm>>
          tpu.enqueue_indirect_dma source(%dma_start3A_419 : memref<20000x144xf32, #tpu.memory_space<hbm>>) target(%arg11 : memref<64x144xf32, #tpu.memory_space<vmem>>) offsets(%dma_start3A_416 : memref<64xi32, #tpu.memory_space<vmem>>) semaphore(%arg15 : memref<!tpu.dma_semaphore, #tpu.memory_space<semaphore_mem>>)
        } else {
        }
        %add3A_399 = arith.constant 4 : i32
        %add3A_400 = arith.addi %mul3A_310, %add3A_399 : i32
        %add3A_401 = arith.constant 3 : i32
        %add3A_402 = arith.addi %add3A_400, %add3A_401 : i32
        %lt3A_403 = arith.constant 16 : i32
        %lt3A_404 = arith.cmpi slt, %add3A_402, %lt3A_403 : i32
        %convert_element_type3A_405 = arith.extui %lt3A_404 : i1 to i32
        %cond3A_406 = arith.constant 0 : i32
        %cond3A_407 = arith.cmpi ne, %convert_element_type3A_405, %cond3A_406 : i32
        scf.if %cond3A_407 {
          %dma_wait3A_408 = arith.constant 0 : i32
          %dma_wait3A_409 = tpu.memref_slice %arg8[%add3A_402, %dma_wait3A_408] : memref<16x64xi32, #tpu.memory_space<vmem>> -> memref<1x64xi32, #tpu.memory_space<vmem>>
          %dma_wait3A_410 = tpu.memref_squeeze %dma_wait3A_409 : memref<1x64xi32, #tpu.memory_space<vmem>> -> memref<64xi32, #tpu.memory_space<vmem>>
          %dma_wait3A_411 = arith.constant 0 : i32
          %dma_wait3A_412 = arith.constant 0 : i32
          %dma_wait3A_413 = tpu.memref_slice %arg6[%dma_wait3A_411, %dma_wait3A_412] : memref<10048x144xf32, #tpu.memory_space<vmem_shared>> -> memref<10048x144xf32, #tpu.memory_space<vmem_shared>>
          tpu.wait_indirect_dma semaphore(%arg20 : memref<!tpu.dma_semaphore, #tpu.memory_space<semaphore_mem>>) src(%arg12 : memref<64x144xf32, #tpu.memory_space<vmem>>) dst(%dma_wait3A_413 : memref<10048x144xf32, #tpu.memory_space<vmem_shared>>)
          %dma_start3A_414 = arith.constant 0 : i32
          %dma_start3A_415 = tpu.memref_slice %arg7[%add3A_402, %dma_start3A_414] : memref<16x64xi32, #tpu.memory_space<vmem>> -> memref<1x64xi32, #tpu.memory_space<vmem>>
          %dma_start3A_416 = tpu.memref_squeeze %dma_start3A_415 : memref<1x64xi32, #tpu.memory_space<vmem>> -> memref<64xi32, #tpu.memory_space<vmem>>
          %dma_start3A_417 = arith.constant 0 : i32
          %dma_start3A_418 = arith.constant 0 : i32
          %dma_start3A_419 = tpu.memref_slice %arg2[%dma_start3A_417, %dma_start3A_418] : memref<20000x144xf32, #tpu.memory_space<hbm>> -> memref<20000x144xf32, #tpu.memory_space<hbm>>
          tpu.enqueue_indirect_dma source(%dma_start3A_419 : memref<20000x144xf32, #tpu.memory_space<hbm>>) target(%arg12 : memref<64x144xf32, #tpu.memory_space<vmem>>) offsets(%dma_start3A_416 : memref<64xi32, #tpu.memory_space<vmem>>) semaphore(%arg16 : memref<!tpu.dma_semaphore, #tpu.memory_space<semaphore_mem>>)
        } else {
        }
      }
      %scan3A_276 = arith.constant 4 : i32
      %dma_wait3A = arith.constant 0 : i32
      %dma_wait3A_277 = arith.constant 0 : i32
      %dma_wait3A_278 = tpu.memref_slice %arg8[%dma_wait3A, %dma_wait3A_277] : memref<16x64xi32, #tpu.memory_space<vmem>> -> memref<1x64xi32, #tpu.memory_space<vmem>>
      %dma_wait3A_279 = tpu.memref_squeeze %dma_wait3A_278 : memref<1x64xi32, #tpu.memory_space<vmem>> -> memref<64xi32, #tpu.memory_space<vmem>>
      %dma_wait3A_280 = arith.constant 0 : i32
      %dma_wait3A_281 = arith.constant 0 : i32
      %dma_wait3A_282 = tpu.memref_slice %arg6[%dma_wait3A_280, %dma_wait3A_281] : memref<10048x144xf32, #tpu.memory_space<vmem_shared>> -> memref<10048x144xf32, #tpu.memory_space<vmem_shared>>
      tpu.wait_indirect_dma semaphore(%arg17 : memref<!tpu.dma_semaphore, #tpu.memory_space<semaphore_mem>>) src(%arg9 : memref<64x144xf32, #tpu.memory_space<vmem>>) dst(%dma_wait3A_282 : memref<10048x144xf32, #tpu.memory_space<vmem_shared>>)
      %dma_wait3A_283 = arith.constant 1 : i32
      %dma_wait3A_284 = arith.constant 0 : i32
      %dma_wait3A_285 = tpu.memref_slice %arg8[%dma_wait3A_283, %dma_wait3A_284] : memref<16x64xi32, #tpu.memory_space<vmem>> -> memref<1x64xi32, #tpu.memory_space<vmem>>
      %dma_wait3A_286 = tpu.memref_squeeze %dma_wait3A_285 : memref<1x64xi32, #tpu.memory_space<vmem>> -> memref<64xi32, #tpu.memory_space<vmem>>
      %dma_wait3A_287 = arith.constant 0 : i32
      %dma_wait3A_288 = arith.constant 0 : i32
      %dma_wait3A_289 = tpu.memref_slice %arg6[%dma_wait3A_287, %dma_wait3A_288] : memref<10048x144xf32, #tpu.memory_space<vmem_shared>> -> memref<10048x144xf32, #tpu.memory_space<vmem_shared>>
      tpu.wait_indirect_dma semaphore(%arg18 : memref<!tpu.dma_semaphore, #tpu.memory_space<semaphore_mem>>) src(%arg10 : memref<64x144xf32, #tpu.memory_space<vmem>>) dst(%dma_wait3A_289 : memref<10048x144xf32, #tpu.memory_space<vmem_shared>>)
      %dma_wait3A_290 = arith.constant 2 : i32
      %dma_wait3A_291 = arith.constant 0 : i32
      %dma_wait3A_292 = tpu.memref_slice %arg8[%dma_wait3A_290, %dma_wait3A_291] : memref<16x64xi32, #tpu.memory_space<vmem>> -> memref<1x64xi32, #tpu.memory_space<vmem>>
      %dma_wait3A_293 = tpu.memref_squeeze %dma_wait3A_292 : memref<1x64xi32, #tpu.memory_space<vmem>> -> memref<64xi32, #tpu.memory_space<vmem>>
      %dma_wait3A_294 = arith.constant 0 : i32
      %dma_wait3A_295 = arith.constant 0 : i32
      %dma_wait3A_296 = tpu.memref_slice %arg6[%dma_wait3A_294, %dma_wait3A_295] : memref<10048x144xf32, #tpu.memory_space<vmem_shared>> -> memref<10048x144xf32, #tpu.memory_space<vmem_shared>>
      tpu.wait_indirect_dma semaphore(%arg19 : memref<!tpu.dma_semaphore, #tpu.memory_space<semaphore_mem>>) src(%arg11 : memref<64x144xf32, #tpu.memory_space<vmem>>) dst(%dma_wait3A_296 : memref<10048x144xf32, #tpu.memory_space<vmem_shared>>)
      %dma_wait3A_297 = arith.constant 3 : i32
      %dma_wait3A_298 = arith.constant 0 : i32
      %dma_wait3A_299 = tpu.memref_slice %arg8[%dma_wait3A_297, %dma_wait3A_298] : memref<16x64xi32, #tpu.memory_space<vmem>> -> memref<1x64xi32, #tpu.memory_space<vmem>>
      %dma_wait3A_300 = tpu.memref_squeeze %dma_wait3A_299 : memref<1x64xi32, #tpu.memory_space<vmem>> -> memref<64xi32, #tpu.memory_space<vmem>>
      %dma_wait3A_301 = arith.constant 0 : i32
      %dma_wait3A_302 = arith.constant 0 : i32
      %dma_wait3A_303 = tpu.memref_slice %arg6[%dma_wait3A_301, %dma_wait3A_302] : memref<10048x144xf32, #tpu.memory_space<vmem_shared>> -> memref<10048x144xf32, #tpu.memory_space<vmem_shared>>
      tpu.wait_indirect_dma semaphore(%arg20 : memref<!tpu.dma_semaphore, #tpu.memory_space<semaphore_mem>>) src(%arg12 : memref<64x144xf32, #tpu.memory_space<vmem>>) dst(%dma_wait3A_303 : memref<10048x144xf32, #tpu.memory_space<vmem_shared>>)
    }
    %scan3A_225 = arith.constant 10 : i32
    %barrier3A_226 = arith.constant 0 : index
    tpu.barrier barrier_id(%barrier3A_226)
    %mul3A_227 = arith.constant 10048 : i32
    %mul3A_228 = arith.muli %arg0, %mul3A_227 : i32
    %add3A = arith.addi %mul3A_228, %mul3A_216 : i32
    "tpu.region"() ({
      %run_scoped3A = tpu.sem_alloc : memref<!tpu.dma_semaphore, #tpu.memory_space<semaphore_mem>>
      %dma_start3A = arith.constant 0 : i32
      %dma_start3A_229 = tpu.memref_slice %arg5[%add3A, %dma_start3A] : memref<20096x144xf32, #tpu.memory_space<hbm>> -> memref<628x144xf32, #tpu.memory_space<hbm>>
      %dma_start3A_230 = arith.constant 0 : i32
      %dma_start3A_231 = tpu.memref_slice %arg6[%mul3A_216, %dma_start3A_230] : memref<10048x144xf32, #tpu.memory_space<vmem_shared>> -> memref<628x144xf32, #tpu.memory_space<vmem_shared>>
      tpu.enqueue_dma source(%dma_start3A_231 : memref<628x144xf32, #tpu.memory_space<vmem_shared>>) target(%dma_start3A_229 : memref<628x144xf32, #tpu.memory_space<hbm>>) target_semaphore(%run_scoped3A : memref<!tpu.dma_semaphore, #tpu.memory_space<semaphore_mem>>)
      %dma_wait3A = arith.constant 0 : i32
      %dma_wait3A_232 = tpu.memref_slice %arg5[%add3A, %dma_wait3A] : memref<20096x144xf32, #tpu.memory_space<hbm>> -> memref<628x144xf32, #tpu.memory_space<hbm>>
      %dma_wait3A_233 = arith.constant 0 : i32
      %dma_wait3A_234 = tpu.memref_slice %arg6[%mul3A_216, %dma_wait3A_233] : memref<10048x144xf32, #tpu.memory_space<vmem_shared>> -> memref<628x144xf32, #tpu.memory_space<vmem_shared>>
      tpu.wait_dma2 semaphore(%run_scoped3A : memref<!tpu.dma_semaphore, #tpu.memory_space<semaphore_mem>>) src(%dma_wait3A_234 : memref<628x144xf32, #tpu.memory_space<vmem_shared>>) dst(%dma_wait3A_232 : memref<628x144xf32, #tpu.memory_space<hbm>>)
      tpu.yield
    }) : () -> ()
    return
  }
}

module attributes {stable_mosaic.version = 14 : i64} {
  func.func @_tc_body(%arg0: i32, %arg1: memref<1000x256xf32, #tpu.memory_space<vmem>>, %arg2: memref<2x1000x144xf32, #tpu.memory_space<vmem>>, %arg3: memref<256x256xf32, #tpu.memory_space<vmem>>, %arg4: memref<2x128x256xf32, #tpu.memory_space<vmem>>, %arg5: memref<1x256xf32, #tpu.memory_space<vmem>>, %arg6: memref<1000x256xf32, #tpu.memory_space<vmem>>) attributes {dimension_semantics = [#tpu.dimension_semantics<arbitrary>], iteration_bounds = array<i64: 10>, scalar_prefetch = 0 : i64, scratch_operands = 0 : i64, tpu.core_type = #tpu.core_type<tc>, window_params = [{transform_indices = @transform_0, window_bounds = array<i64: 1000, 256>}, {transform_indices = @transform_1, window_bounds = array<i64: 2, 1000, 144>}, {pipeline_mode = #tpu.pipeline_mode<synchronous>, transform_indices = @transform_2, window_bounds = array<i64: 256, 256>}, {pipeline_mode = #tpu.pipeline_mode<synchronous>, transform_indices = @transform_3, window_bounds = array<i64: 2, 128, 256>}, {pipeline_mode = #tpu.pipeline_mode<synchronous>, transform_indices = @transform_4, window_bounds = array<i64: 1, 256>}, {transform_indices = @transform_5, window_bounds = array<i64: 1000, 256>}]} {
    %get3A = arith.constant 0 : index
    %get3A_0 = arith.constant 0 : index
    %get3A_1 = arith.constant 0 : index
    %get3A_2 = vector.load %arg2[%get3A, %get3A_0, %get3A_1] : memref<2x1000x144xf32, #tpu.memory_space<vmem>>, vector<1x1000x144xf32>
    %get3A_3 = vector.shape_cast %get3A_2 : vector<1x1000x144xf32> to vector<1000x144xf32>
    %get3A_4 = arith.constant 1 : index
    %get3A_5 = arith.constant 0 : index
    %get3A_6 = arith.constant 0 : index
    %get3A_7 = vector.load %arg2[%get3A_4, %get3A_5, %get3A_6] : memref<2x1000x144xf32, #tpu.memory_space<vmem>>, vector<1x1000x144xf32>
    %get3A_8 = vector.shape_cast %get3A_7 : vector<1x1000x144xf32> to vector<1000x144xf32>
    %slice3A = vector.extract_strided_slice %get3A_3 {offsets = [0, 128], sizes = [1000, 1], strides = [1, 1]} : vector<1000x144xf32> to vector<1000x1xf32>
    %max3A = arith.constant 1.000000e+00 : f32
    %max3A_9 = vector.broadcast %max3A : f32 to vector<1000x1xf32>
    %max3A_10 = arith.maximumf %slice3A, %max3A_9 : vector<1000x1xf32>
    %div3A = arith.constant 1.000000e+00 : f32
    %div3A_11 = vector.broadcast %div3A : f32 to vector<1000x1xf32>
    %div3A_12 = arith.divf %div3A_11, %max3A_10 : vector<1000x1xf32>
    %get3A_13 = arith.constant 0 : index
    %get3A_14 = arith.constant 0 : index
    %get3A_15 = vector.load %arg1[%get3A_13, %get3A_14] : memref<1000x256xf32, #tpu.memory_space<vmem>>, vector<1000x256xf32>
    %get3A_16 = arith.constant 0 : index
    %get3A_17 = arith.constant 0 : index
    %get3A_18 = vector.load %arg3[%get3A_16, %get3A_17] : memref<256x256xf32, #tpu.memory_space<vmem>>, vector<256x256xf32>
    %dot_general3A = arith.constant dense<0.000000e+00> : vector<1000x256xf32>
    %dot_general3A_19 = tpu.matmul %get3A_15, %get3A_18, %dot_general3A {dimension_numbers = #tpu.dot_dimension_numbers<[1], [0], [0], [1], [0, 0, 1, 1], [], []>, precision = #tpu.contract_precision<fp32>, transpose_lhs_hint = false} : vector<1000x256xf32>, vector<256x256xf32>, vector<1000x256xf32> -> vector<1000x256xf32>
    %slice3A_20 = vector.extract_strided_slice %get3A_3 {offsets = [0, 0], sizes = [1000, 128], strides = [1, 1]} : vector<1000x144xf32> to vector<1000x128xf32>
    %mul3A = vector.broadcast %div3A_12 : vector<1000x1xf32> to vector<1000x128xf32>
    %mul3A_21 = arith.mulf %slice3A_20, %mul3A : vector<1000x128xf32>
    %get3A_22 = arith.constant 0 : index
    %get3A_23 = arith.constant 0 : index
    %get3A_24 = arith.constant 0 : index
    %get3A_25 = vector.load %arg4[%get3A_22, %get3A_23, %get3A_24] : memref<2x128x256xf32, #tpu.memory_space<vmem>>, vector<1x128x256xf32>
    %get3A_26 = vector.shape_cast %get3A_25 : vector<1x128x256xf32> to vector<128x256xf32>
    %dot_general3A_27 = arith.constant dense<0.000000e+00> : vector<1000x256xf32>
    %dot_general3A_28 = tpu.matmul %mul3A_21, %get3A_26, %dot_general3A_27 {dimension_numbers = #tpu.dot_dimension_numbers<[1], [0], [0], [1], [0, 0, 1, 1], [], []>, precision = #tpu.contract_precision<fp32>, transpose_lhs_hint = false} : vector<1000x128xf32>, vector<128x256xf32>, vector<1000x256xf32> -> vector<1000x256xf32>
    %add3A = arith.addf %dot_general3A_19, %dot_general3A_28 : vector<1000x256xf32>
    %slice3A_29 = vector.extract_strided_slice %get3A_8 {offsets = [0, 0], sizes = [1000, 128], strides = [1, 1]} : vector<1000x144xf32> to vector<1000x128xf32>
    %mul3A_30 = vector.broadcast %div3A_12 : vector<1000x1xf32> to vector<1000x128xf32>
    %mul3A_31 = arith.mulf %slice3A_29, %mul3A_30 : vector<1000x128xf32>
    %get3A_32 = arith.constant 1 : index
    %get3A_33 = arith.constant 0 : index
    %get3A_34 = arith.constant 0 : index
    %get3A_35 = vector.load %arg4[%get3A_32, %get3A_33, %get3A_34] : memref<2x128x256xf32, #tpu.memory_space<vmem>>, vector<1x128x256xf32>
    %get3A_36 = vector.shape_cast %get3A_35 : vector<1x128x256xf32> to vector<128x256xf32>
    %dot_general3A_37 = arith.constant dense<0.000000e+00> : vector<1000x256xf32>
    %dot_general3A_38 = tpu.matmul %mul3A_31, %get3A_36, %dot_general3A_37 {dimension_numbers = #tpu.dot_dimension_numbers<[1], [0], [0], [1], [0, 0, 1, 1], [], []>, precision = #tpu.contract_precision<fp32>, transpose_lhs_hint = false} : vector<1000x128xf32>, vector<128x256xf32>, vector<1000x256xf32> -> vector<1000x256xf32>
    %add3A_39 = arith.addf %add3A, %dot_general3A_38 : vector<1000x256xf32>
    %get3A_40 = arith.constant 0 : index
    %get3A_41 = arith.constant 0 : index
    %get3A_42 = vector.load %arg5[%get3A_40, %get3A_41] : memref<1x256xf32, #tpu.memory_space<vmem>>, vector<1x256xf32>
    %add3A_43 = vector.broadcast %get3A_42 : vector<1x256xf32> to vector<1000x256xf32>
    %add3A_44 = arith.addf %add3A_39, %add3A_43 : vector<1000x256xf32>
    %max3A_45 = arith.constant 0.000000e+00 : f32
    %max3A_46 = vector.broadcast %max3A_45 : f32 to vector<1000x256xf32>
    %max3A_47 = arith.maximumf %add3A_44, %max3A_46 : vector<1000x256xf32>
    %swap3A = arith.constant 0 : index
    %swap3A_48 = arith.constant 0 : index
    %swap3A_49 = vector.load %arg6[%swap3A, %swap3A_48] : memref<1000x256xf32, #tpu.memory_space<vmem>>, vector<1000x256xf32>
    tpu.vector_store %arg6[%swap3A, %swap3A_48], %max3A_47 {strides = array<i32>} : memref<1000x256xf32, #tpu.memory_space<vmem>>, vector<1000x256xf32>,
    return
  }
  func.func @transform_0(%arg0: i32) -> (i32, i32) {
    %c0_i32 = arith.constant 0 : i32
    %c0_i32_0 = arith.constant 0 : i32
    return %arg0, %c0_i32 : i32, i32
  }
  func.func @transform_1(%arg0: i32) -> (i32, i32, i32) {
    %c0_i32 = arith.constant 0 : i32
    %c0_i32_0 = arith.constant 0 : i32
    %c0_i32_1 = arith.constant 0 : i32
    return %c0_i32, %arg0, %c0_i32_0 : i32, i32, i32
  }
  func.func @transform_2(%arg0: i32) -> (i32, i32) {
    %c0_i32 = arith.constant 0 : i32
    %c0_i32_0 = arith.constant 0 : i32
    %c0_i32_1 = arith.constant 0 : i32
    return %c0_i32, %c0_i32_0 : i32, i32
  }
  func.func @transform_3(%arg0: i32) -> (i32, i32, i32) {
    %c0_i32 = arith.constant 0 : i32
    %c0_i32_0 = arith.constant 0 : i32
    %c0_i32_1 = arith.constant 0 : i32
    %c0_i32_2 = arith.constant 0 : i32
    return %c0_i32, %c0_i32_0, %c0_i32_1 : i32, i32, i32
  }
  func.func @transform_4(%arg0: i32) -> (i32, i32) {
    %c0_i32 = arith.constant 0 : i32
    %c0_i32_0 = arith.constant 0 : i32
    %c0_i32_1 = arith.constant 0 : i32
    return %c0_i32, %c0_i32_0 : i32, i32
  }
  func.func @transform_5(%arg0: i32) -> (i32, i32) {
    %c0_i32 = arith.constant 0 : i32
    %c0_i32_0 = arith.constant 0 : i32
    return %arg0, %c0_i32 : i32, i32
  }
}

</mosaic_0001>

<sc_bundles>
// kernel: kernel.4.cloned.1.call-start
scs
__scs_entry_jumppad:
0x0: {  	(pc) =	sbr.rel $0x88, $3  }
0x1: {  	(tag) =	ssettag $0x0;
	lr =	simm.s32 $0x1  }
0x2: {  	[smem:$0x3F9C] =	sst lr;
	_ =	strace $0xD0000000  }
0x3: {  	_ = 	snop  }
0x4: {  	_ = 	snop  }
0x5: {  	_ = 	snop  }
0x6: {  	_ = 	snop  }
0x7: {  	_ = 	snop  }
__scs_overlays_trampoline_lowered:
0x8: {  	[smem:$0x3FAB] =	sst s0  }
0x9: {  	[smem:$0x3FAC] =	sst s1  }
0xa: {  	[smem:$0x3FAD] =	sst s2  }
0xb: {  	[smem:$0x3FAE] =	sst s3  }
0xc: {  	[smem:$0x3FAF] =	sst s4  }
0xd: {  	[smem:$0x3FB0] =	sst s5  }
0xe: {  	[smem:$0x3FB1] =	sst s6  }
0xf: {  	[smem:$0x3FB2] =	sst s7  }
0x10: {  	[smem:$0x3FB3] =	sst s8  }
0x11: {  	[smem:$0x3FB4] =	sst s9;
	s0 =	simm.s32 @!p0 $0x0  }
0x12: {  	s1 =	sld [smem:$0x3F9A];
	s0 =	simm.s32 @p0 $0x1  }
0x13: {  	[smem:$0x3FB5] =	sst s0;
	s0 =	simm.s32 @!p1 $0x0  }
0x14: {  	s2 =	sld [smem:$0x3F99];
	s0 =	simm.s32 @p1 $0x1  }
0x15: {  	[smem:$0x3FB6] =	sst s0;
	s0 =	simm.s32 @!p2 $0x0  }
0x16: {  	s3 =	sld [smem:$0x3FDB];
	s0 =	simm.s32 @p2 $0x1  }
0x17: {  	s4 =	simm.s32 $0x1BF5;
	[smem:$0x3FB8] =	sst s0  }
0x18: {  	s0 =	sld [smem:$0x3F9B];
	_ =	swait.ge [sflag:s4], $0x0  }
0x19: {  	s7 =	sld [smem:$0x3F9C]  }
0x1a: {  	s8 =	sadd.s32 $0xFFFFE003, lr  }
0x1b: {  	s9 =	sadd.s32 $0xFFFFFEF7, lr;
	s5 =	simm.s32 $0xFFFFFFFF;
	p2 =	slt.u32 s8, $0xFFFFF086  }
0x1c: {  	p1 =	slt.u32 s9, $0xF7A;
	s5 =	simm.s32 @!p2 $0x0  }
0x1d: {  	s5 =	simm.s32 @p1 $0x1;
	p0 =	seq.s32 s7, s2  }
0x1e: {  	s7 =	smul.u32 @!p0 $0xF7A, s2;
	p2 =	seq.s32 @!p0 s5, $0x0  }
0x1f: {  	s9 =	smul.u32 $0xF7A, s1;
	s8 =	simm.s32 @!p0 $0x1BF5;
	p2 =	por !p2, p0  }
0x20: {  	[sflag:s8] =	ssyncset.s32 @!p0 $0xFFFFF086;
	s6 =	sadd.s32 @!p0 s3, s7;
	s7 =	simm.s32 @!p0 $0x108  }
0x21: {  	s3 =	sadd.s32 s3, s9;
	s6 =	sadd.s32 @!p0 $0x88, s6;
	s7 =	simm.s32 @p2 $0x1082  }
0x22: {  	[simem:s7], [sflag:s8] =	dma.local @!p0 [hbm:s6], $0xF7A  }
0x23: {  	s9 =	sor.u32 $0xD0000000, s2;
	s6 =	simm.s32 $0x108;
	_ =	swait.ge @!p0 [sflag:s8], $0x0  }
0x24: {  	s3 =	sadd.s32 $0x88, s3;
	s6 =	simm.s32 @!p1 $0x1082;
	[sflag:s4] =	ssyncset.s32 $0xFFFFF086  }
0x25: {  	[simem:s6], [sflag:s4] =	dma.local [hbm:s3], $0xF7A  }
0x26: {  	[smem:$0x3F9C] =	sst s1;
	(tag) =	ssettag s2;
	_ =	strace s9  }
0x27: {  	s1 =	sld [smem:$0x3FAC]  }
0x28: {  	s2 =	sld [smem:$0x3FAD]  }
0x29: {  	s4 =	sld [smem:$0x3FAF]  }
0x2a: {  	p0 =	seq.s32 s5, $0x0;
	s5 =	sld [smem:$0x3FB0]  }
0x2b: {  	s6 =	sld [smem:$0x3FB1]  }
0x2c: {  	s7 =	sld [smem:$0x3FB2]  }
0x2d: {  	s3 =	simm.s32 $0x108;
	s8 =	sld [smem:$0x3FB3]  }
0x2e: {  	s3 =	simm.s32 @!p0 $0x1082;
	s9 =	sld [smem:$0x3FB4]  }
0x2f: {  	lr =	sadd.s32 s0, s3;
	s0 =	sld [smem:$0x3FAB]  }
0x30: {  	s3 =	sld [smem:$0x3FAE]  }
0x31: {  	[smem:$0x3FB7] =	sst s10  }
0x32: {  	s10 =	sld [smem:$0x3FB5];
	_ =	sdelay $0x3  }
0x33: {  	p0 =	seq.s32 s10, $0x1;
	s10 =	sld [smem:$0x3FB7];
	_ =	sdelay $0x3  }
0x34: {  	[smem:$0x3FB7] =	sst s10  }
0x35: {  	s10 =	sld [smem:$0x3FB6];
	_ =	sdelay $0x3  }
0x36: {  	p1 =	seq.s32 s10, $0x1;
	s10 =	sld [smem:$0x3FB7];
	_ =	sdelay $0x3  }
0x37: {  	[smem:$0x3FB7] =	sst s10  }
0x38: {  	s10 =	sld [smem:$0x3FB8]  }
0x39: {  	_ = 	snop;
	(pc) =	sbr.ind lr, $3  }
0x3a: {  	_ = 	snop  }
0x3b: {  	_ = 	snop  }
0x3c: {  	p2 =	seq.s32 s10, $0x1;
	s10 =	sld [smem:$0x3FB7]  }
0x3d: {  	_ =	shalt  }
0x3e: {  	_ =	shalt  }
0x3f: {  	_ =	shalt  }
0x40: {  	_ =	shalt  }
0x41: {  	_ =	shalt  }
0x42: {  	_ =	shalt  }
0x43: {  	_ =	shalt  }
0x44: {  	_ =	shalt  }
0x45: {  	_ =	shalt  }
0x46: {  	_ =	shalt  }
0x47: {  	_ =	shalt  }
0x48: {  	_ =	shalt  }
0x49: {  	_ =	shalt  }
0x4a: {  	_ =	shalt  }
0x4b: {  	_ =	shalt  }
0x4c: {  	_ =	shalt  }
0x4d: {  	_ =	shalt  }
0x4e: {  	_ =	shalt  }
0x4f: {  	_ =	shalt  }
0x50: {  	_ =	shalt  }
0x51: {  	_ =	shalt  }
0x52: {  	_ =	shalt  }
0x53: {  	_ =	shalt  }
0x54: {  	_ =	shalt  }
0x55: {  	_ =	shalt  }
0x56: {  	_ =	shalt  }
0x57: {  	_ =	shalt  }
0x58: {  	_ =	shalt  }
0x59: {  	_ =	shalt  }
0x5a: {  	_ =	shalt  }
0x5b: {  	_ =	shalt  }
0x5c: {  	_ =	shalt  }
0x5d: {  	_ =	shalt  }
0x5e: {  	_ =	shalt  }
0x5f: {  	_ =	shalt  }
0x60: {  	_ =	shalt  }
0x61: {  	_ =	shalt  }
0x62: {  	_ =	shalt  }
0x63: {  	_ =	shalt  }
0x64: {  	_ =	shalt  }
0x65: {  	_ =	shalt  }
0x66: {  	_ =	shalt  }
0x67: {  	_ =	shalt  }
0x68: {  	_ =	shalt  }
0x69: {  	_ =	shalt  }
0x6a: {  	_ =	shalt  }
0x6b: {  	_ =	shalt  }
0x6c: {  	_ =	shalt  }
0x6d: {  	_ =	shalt  }
0x6e: {  	_ =	shalt  }
0x6f: {  	_ =	shalt  }
0x70: {  	_ =	shalt  }
0x71: {  	_ =	shalt  }
0x72: {  	_ =	shalt  }
0x73: {  	_ =	shalt  }
0x74: {  	_ =	shalt  }
0x75: {  	_ =	shalt  }
0x76: {  	_ =	shalt  }
0x77: {  	_ =	shalt  }
0x78: {  	_ =	shalt  }
0x79: {  	_ =	shalt  }
0x7a: {  	_ =	shalt  }
0x7b: {  	_ =	shalt  }
0x7c: {  	_ =	shalt  }
0x7d: {  	_ =	shalt  }
0x7e: {  	_ =	shalt  }
0x7f: {  	_ =	shalt  }
0x80: {  	_ =	shalt  }
0x81: {  	_ =	shalt  }
0x82: {  	_ =	shalt  }
0x83: {  	_ =	shalt  }
0x84: {  	_ =	shalt  }
0x85: {  	_ =	shalt  }
0x86: {  	_ =	shalt  }
0x87: {  	_ =	shalt  }
.Lfunc_end0:
.L_simem_size_0:
called_computation_lowered:
.L_overlay_start_0:
0x88: {  	s2 =	sld [smem:$0x3FD9]  }
0x89: {  	s3 =	sld [smem:$0x3FFE];
	_ =	sdelay $0x1  }
0x8a: {  	s1 =	srdreg.scid  }
0x8b: {  	s0 =	sand.u32 $0x1, s1  }
0x8c: {  	s17 =	sshll.u32 s0, $0xA;
	s2 =	sadd.s32 s3, s2  }
0x8d: {  	s2 =	sadd.s32 s2, s17  }
0x8e: {  	[smem:$0x3FC3] =	sst s2  }
0x8f: {  	_ = 	snop  }
0x90: {  	s2 =	sld [smem:$0x3FD0];
	(tm) =	ssettm $0x1  }
0x91: {  	s18 =	sld [smem:$0x3FFB];
	_ =	sdelay $0x3  }
0x92: {  	_ =	strace s18  }
0x93: {  	s3 =	sld [smem:$0x3FFC];
	_ =	sdelay $0x3  }
0x94: {  	_ =	strace s3  }
0x95: {  	s3 =	sld [smem:$0x3FFD];
	_ =	sdelay $0x3  }
0x96: {  	_ =	strace s3  }
0x97: {  	_ =	strace $0x8FFFFFFF  }
0x98: {  	s19 =	sld [smem:$0x3FDB];
	_ =	sdelay $0x1  }
0x99: {  	s4 =	simm.s32 $_scs_section_size  }
0x9a: {  	s5 =	simm.s32 $_size__tile_overlayer_lowered;
	s6 =	simm.s32 $_tile_overlayer_lowered  }
0x9b: {  	s22 =	simm.s32 $0x1BFF;
	s21 =	sshll.u32 s6, $0x1;
	s3 =	sadd.s32 s4, s19  }
0x9c: {  	s7 =	simm.s32 $0x0;
	s20 =	sshll.u32 s5, $0x1;
	s5 =	sadd.s32 s21, s3  }
0x9d: {  	[timem:s7], [sflag:s22] =	dma.local [hbm:s5], s20  }
0x9e: {  	_ =	swait.ge [sflag:s22], s20  }
0x9f: {  	s4 =	ssub.s32 $0x0, s20;
	[sflag:s22] =	ssyncset.done $0x0  }
0xa0: {  	[sflag:s22] =	ssyncadd.s32 s4;
	_ =	sdelay $0x1  }
0xa1: {  	s23 =	simm.s32 $0x1B8B  }
0xa2: {  	_ =	swait.ge [sflag:s23], $0x1  }
0xa3: {  	[sflag:s23] =	ssyncset.done $0x0  }
0xa4: {  	s25 =	simm.s32 $0x1B8E;
	s24 =	sld [smem:$0x3FFE];
	[sflag:s23] =	ssyncadd.s32 $0xFFFFFFFF  }
0xa5: {  	s26 =	simm.s32 $execute0_lowered;
	[smem:$0x3FD2] =	sst s25  }
0xa6: {  	s5 =	sshll.u32 s26, $0x1;
	_ =	strace $0x80000046;
	[dreg:$0x1] =	wrdreg $0xFFFFFFFF  }
0xa7: {  	s28 =	simm.s32 $_size_execute0_lowered;
	s3 =	sadd.s32 s3, s5;
	[dreg:$0x0] =	wrdreg $0x0  }
0xa8: {  	s5 =	sshll.u32 s28, $0x1;
	[dreg:$0x2] =	wrdreg s3  }
0xa9: {  	[dreg:$0x3] =	wrdreg s5  }
0xaa: {  	[dreg:$0x4] =	wrdreg $0xC0  }
0xab: {  	_ =	task [dreg:s7], $0x5FFFF  }
0xac: {  	[dreg:$0x1] =	wrdreg $0xFFFFFFFF  }
0xad: {  	[dreg:$0x0] =	wrdreg $0x60  }
0xae: {  	[dreg:$0x2] =	wrdreg s24  }
0xaf: {  	[dreg:$0x3] =	wrdreg s2  }
0xb0: {  	[dreg:$0x4] =	wrdreg $0x0  }
0xb1: {  	[dreg:$0x5] =	wrdreg $0x9  }
0xb2: {  	_ =	task.clear_ibuf [dreg:s7], $0x6FFFF;
	_ =	strace $0x90000046  }
0xb3: {  	s29 =	simm.s32 $0x9;
	_ =	strace $0x80000048  }
0xb4: {  	_ =	swait.ge [sflag:s29], $0x1  }
0xb5: {  	[sflag:s29] =	ssyncadd.s32 $0xFFFFFFFF  }
0xb6: {  	_ =	strace $0x90000048  }
0xb7: {  	_ =	sfence  }
0xb8: {  	s30 =	sld [smem:$0x0];
	_ =	sdelay $0x2  }
0xb9: {  	s31 =	sshll.u32 s1, $0xD;
	s1 =	sshrl.u32 s1, $0x2  }
0xba: {  	s3 =	sand.u32 $0x4000, s31;
	s1 =	sadd.s32 s1, s30  }
0xbb: {  	s0 =	sor.u32 s3, s0;
	s1 =	sshll.u32 s1, $0x11  }
0xbc: {  	s0 =	sor.u32 s1, s0  }
0xbd: {  	s0 =	sadd.s32 $0x8F2B, s0  }
0xbe: {  	[sflag:s0] =	ssyncadd.remote.s32 $0x1  }
0xbf: {  	_ =	sfence.sel $0xFFFF  }
0xc0: {  	[dreg:$0x0] =	wrdreg $0xFFFFFFFF;
	(pc) =	sbr.abs _section_cstart, $3  }
0xc1: {  	[dreg:$0x1] =	wrdreg $0xFFFFFFFF  }
0xc2: {  	_ =	task.clear_ibuf [dreg:s7], $0x2FFFF;
	_ =	strace $0x9FFFFFFF  }
0xc3: {  	(tm) =	ssettm $0x7FFFFFFF  }
tec
execute0_lowered:
.L_overlay_start_1:
0x0: {  	(tag) =	ssettag $0x1  }
0x1: {  	s0 =	rddreg [dreg:$0x0];
	s9 =	stileid.u32  }
0x2: {  	s1 =	srdreg.scid;
	s5 =	rddreg [dreg:$0x1]  }
0x3: {  	s2 =	rddreg [dreg:$0x2];
	s3 =	simm.s32 $0x0;
	s23 =	simm.s32 $0x16180  }
0x4: {  	s24 =	simm.s32 $0x161C0;
	s26 =	simm.s32 $0x16200;
	s10 =	simm.s32 $0x16600  }
0x5: {  	s11 =	simm.s32 $0x16240;
	s12 =	simm.s32 $0x16280;
	[smem:$0x7FF] =	sst s3  }
0x6: {  	s4 =	smul.u32 $0x274, s9;
	_ =	strace $0x80000047;
	[dreg:$0x6] =	wrdreg s23  }
0x7: {  	s13 =	simm.s32 $0x162C0;
	s7 =	smul.u32 $0x500, s9;
	[dreg:$0x7] =	wrdreg s24  }
0x8: {  	s25 =	smul.u32 $0x58500, s9;
	s9 =	simm.s32 $0x165C0;
	[dreg:$0x8] =	wrdreg s26  }
0x9: {  	s14 =	simm.s32 $0x16300;
	s15 =	simm.s32 $0x16640;
	[dreg:$0xa] =	wrdreg s9  }
0xa: {  	s16 =	simm.s32 $0x16680;
	s17 =	simm.s32 $0x166C0;
	[dreg:$0xb] =	wrdreg s10  }
0xb: {  	s18 =	simm.s32 $0x16700;
	s28 =	simm.s32 $0x164C0;
	[dreg:$0xc] =	wrdreg s11  }
0xc: {  	s29 =	simm.s32 $0x16500;
	s1 =	sand.u32 $0x1, s1;
	[dreg:$0xd] =	wrdreg s12  }
0xd: {  	s30 =	simm.s32 $0x16840;
	s6 =	smul.u32 $0x2740, s1;
	[dreg:$0xe] =	wrdreg s13  }
0xe: {  	s31 =	simm.s32 $0x16880;
	s19 =	smul.u32 $0x5000, s1;
	[dreg:$0xf] =	wrdreg s14  }
0xf: {  	s1 =	ssub.s32 $0x2, s1;
	s9 =	simm.s32 $0x9;
	[dreg:$0x10] =	wrdreg s15  }
0x10: {  	s10 =	simm.s32 $0x16140;
	s11 =	simm.s32 $0x16540;
	[dreg:$0x11] =	wrdreg s16  }
0x11: {  	s12 =	simm.s32 $0x40;
	s13 =	simm.s32 $0x16940;
	[dreg:$0x12] =	wrdreg s17  }
0x12: {  	s14 =	simm.s32 $0x18D40;
	s15 =	simm.s32 $0x1B140;
	[dreg:$0x13] =	wrdreg s18  }
0x13: {  	s16 =	simm.s32 $0x1D540;
	s17 =	simm.s32 $0x1;
	s18 =	simm.s32 $0x2  }
0x14: {  	s23 =	simm.s32 $0x16740;
	s24 =	simm.s32 $0x16780;
	s26 =	simm.s32 $0x16800  }
0x15: {  	s20 =	sadd.s32 s7, s0;
	s22 =	sshrl.u32 s1, $0x1;
	[dreg:$0x18] =	wrdreg s23  }
0x16: {  	[dreg:$0x19] =	wrdreg s24;
	s23 =	simm.s32 $0x7;
	s24 =	simm.s32 $0x8  }
0x17: {  	[dreg:$0x1b] =	wrdreg s26;
	s26 =	simm.s32 $0x16480;
	s21 =	sadd.s32 $0x59200, s20  }
0x18: {  	s5 =	sadd.s32 s19, s5;
	s19 =	simm.s32 $0x16340;
	[dreg:$0x5] =	wrdreg s21  }
0x19: {  	s4 =	sadd.s32 s4, s6;
	s20 =	simm.s32 $0x16380;
	[dreg:$0x14] =	wrdreg s19  }
0x1a: {  	s1 =	ssub.s32 s1, s22;
	s22 =	simm.s32 $0x16400;
	[dreg:$0x15] =	wrdreg s20  }
0x1b: {  	s8 =	smul.u32 $0x12, s4;
	s5 =	sadd.s32 s7, s5;
	[dreg:$0x17] =	wrdreg s22  }
0x1c: {  	s4 =	sadd.s32 $0x1200, s0;
	s7 =	simm.s32 $0x16580;
	[dreg:$0x4] =	wrdreg s5  }
0x1d: {  	s1 =	smax.u32 s1, $0x1;
	s21 =	simm.s32 $0x163C0;
	[dreg:$0x9] =	wrdreg s7  }
0x1e: {  	s19 =	simm.s32 $0x3;
	s20 =	simm.s32 $0x4;
	[dreg:$0x1d] =	wrdreg s1  }
0x1f: {  	s22 =	simm.s32 $0x6;
	[dreg:$0x16] =	wrdreg s21;
	s21 =	simm.s32 $0x5  }
0x20: {  	s1 =	simm.s32 $0x168C0;
	s7 =	simm.s32 $0x0;
	s0 =	sadd.s32 s8, s0  }
0x21: {  	s8 =	sshrl.u32 s25, $0x2;
	s25 =	simm.s32 $0x167C0;
	s0 =	sadd.s32 $0x5E200, s0  }
0x22: {  	s6 =	sadd.s32 s8, s2;
	s8 =	simm.s32 $0x1F940;
	[dreg:$0x1a] =	wrdreg s25  }
0x23: {  	v0 =	vimm.f32 $0.0e+00;
	s25 =	simm.s32 $0x16440;
	[dreg:$0x1c] =	wrdreg s0;
	s0 =	simm.s32 $0x16900  }
.LBB2_1:
0x24: {  	[tilespmem:$0x1F940] =	vst v0  }
0x25: {  	[tilespmem:$0x1F950] =	vst v0  }
0x26: {  	[tilespmem:$0x1F960] =	vst v0  }
0x27: {  	[tilespmem:$0x1F970] =	vst v0  }
0x28: {  	[tilespmem:$0x1F980] =	vst v0  }
0x29: {  	[tilespmem:$0x1F990] =	vst v0  }
0x2a: {  	[tilespmem:$0x1F9A0] =	vst v0  }
0x2b: {  	[tilespmem:$0x1F9B0] =	vst v0  }
0x2c: {  	[tilespmem:$0x1F9C0] =	vst v0  }
0x2d: {  	[tilespmem:$0x1F9D0] =	vst v0  }
0x2e: {  	[tilespmem:$0x1F9E0] =	vst v0  }
0x2f: {  	[tilespmem:$0x1F9F0] =	vst v0  }
0x30: {  	[tilespmem:$0x1FA00] =	vst v0  }
0x31: {  	[tilespmem:$0x1FA10] =	vst v0  }
0x32: {  	[tilespmem:$0x1FA20] =	vst v0  }
0x33: {  	[tilespmem:$0x1FA30] =	vst v0  }
0x34: {  	[tilespmem:$0x1FA40] =	vst v0  }
0x35: {  	[tilespmem:$0x1FA50] =	vst v0  }
0x36: {  	[tilespmem:$0x1FA60] =	vst v0  }
0x37: {  	[tilespmem:$0x1FA70] =	vst v0  }
0x38: {  	[tilespmem:$0x1FA80] =	vst v0  }
0x39: {  	[tilespmem:$0x1FA90] =	vst v0  }
0x3a: {  	[tilespmem:$0x1FAA0] =	vst v0  }
0x3b: {  	[tilespmem:$0x1FAB0] =	vst v0  }
0x3c: {  	[tilespmem:$0x1FAC0] =	vst v0  }
0x3d: {  	[tilespmem:$0x1FAD0] =	vst v0  }
0x3e: {  	[tilespmem:$0x1FAE0] =	vst v0  }
0x3f: {  	[tilespmem:$0x1FAF0] =	vst v0  }
0x40: {  	[tilespmem:$0x1FB00] =	vst v0  }
0x41: {  	[tilespmem:$0x1FB10] =	vst v0  }
0x42: {  	[tilespmem:$0x1FB20] =	vst v0  }
0x43: {  	[tilespmem:$0x1FB30] =	vst v0  }
0x44: {  	[tilespmem:$0x1FB40] =	vst v0  }
0x45: {  	[tilespmem:$0x1FB50] =	vst v0  }
0x46: {  	[tilespmem:$0x1FB60] =	vst v0  }
0x47: {  	[dreg:$0x1e] =	wrdreg s7;
	[tilespmem:$0x1FB70] =	vst v0;
	s5 =	sadd.s32 $0x0, s6  }
0x48: {  	[spmem:s5] =	stream.linear.scatter [tilespmem:s8], [sflag:$0x9], $0x240, $0x38;
	[tilespmem:$0x1FB80] =	vst v63  }
0x49: {  	s5 =	simm.s32 $0x900;
	_ =	swait.ge [sflag:s9], $0x240  }
.LBB2_2:
0x4a: {  	s7 =	sshra.s32 s5, $0x2;
	[sflag:s9] =	ssyncset.done $0x0;
	p0 =	sne.s32 s5, $0x57C00  }
.Ltmp0:
0x4b: {  	s7 =	sadd.s32 s7, s6;
	[sflag:s9] =	ssyncadd.s32 $0xFFFFFDC0;
	(pc) =	sbr.rel @p0 .LBB2_2-.Ltmp0, $3  }
0x4c: {  	[spmem:s7] =	stream.linear.scatter [tilespmem:s8], [sflag:$0x9], $0x240, $0x38;
	[tilespmem:$0x1FB80] =	vst v63  }
0x4d: {  	s5 =	sadd.s32 $0x900, s5;
	_ =	sdelay $0x1  }
0x4e: {  	_ =	swait.ge [sflag:s9], $0x240  }
0x4f: {  	[sflag:s9] =	ssyncset.done $0x0  }
0x50: {  	[sflag:s9] =	ssyncadd.s32 $0xFFFFFDC0  }
0x51: {  	[bflag:$0x0] =	sbarrier.arrive $0xFFFF  }
0x52: {  	s5 =	rddreg [dreg:$0x4]  }
0x53: {  	s5 =	sadd.s32 $0x0, s5  }
0x54: {  	[tilespmem:s10], [sflag:$0x9] =	stream.linear.gather [hbm4b:s5+s3], $0x400, $0x38;
	[tilespmem:$0x1FB80] =	vst v63  }
0x55: {  	_ =	swait.ge [sflag:s9], $0x400  }
0x56: {  	s7 =	rddreg [dreg:$0x5];
	[sflag:s9] =	ssyncset.done $0x0  }
0x57: {  	[sflag:s9] =	ssyncadd.s32 $0xFFFFFC00;
	s5 =	sadd.s32 $0x0, s7  }
0x58: {  	[tilespmem:s11], [sflag:$0x9] =	stream.linear.gather [hbm4b:s5+s3], $0x400, $0x38;
	[tilespmem:$0x1FB80] =	vst v63  }
0x59: {  	_ =	swait.ge [sflag:s9], $0x400  }
0x5a: {  	[sflag:s9] =	ssyncset.done $0x0  }
0x5b: {  	[sflag:s9] =	ssyncadd.s32 $0xFFFFFC00  }
0x5c: {  	[tilespmem:s13], [sflag:$0x1] =	stream.indirect.gather [hbm4b:s4+s12], $0x90, s10, s12, $0xb8;
	[tilespmem:$0x1FB80] =	vst v63  }
0x5d: {  	s8 =	rddreg [dreg:$0x6]  }
0x5e: {  	[tilespmem:s14], [sflag:$0x2] =	stream.indirect.gather [hbm4b:s4+s12], $0x90, s8, s12, $0xb8;
	[tilespmem:$0x1FB80] =	vst v63  }
0x5f: {  	s7 =	rddreg [dreg:$0x7]  }
0x60: {  	[tilespmem:s15], [sflag:$0x3] =	stream.indirect.gather [hbm4b:s4+s12], $0x90, s7, s12, $0xb8;
	[tilespmem:$0x1FB80] =	vst v63  }
0x61: {  	s8 =	rddreg [dreg:$0x8]  }
0x62: {  	[tilespmem:s16], [sflag:$0x4] =	stream.indirect.gather [hbm4b:s4+s12], $0x90, s8, s12, $0xb8;
	[tilespmem:$0x1FB80] =	vst v63  }
0x63: {  	_ =	swait.ge [sflag:s17], $0x2400  }
0x64: {  	[sflag:s17] =	ssyncset.done $0x0  }
0x65: {  	[sflag:s17] =	ssyncadd.s32 $0xFFFFDC00  }
0x66: {  	[spmem:s2] =	stream.indirect.scatter.add.f32 [tilespmem:s13], [sflag:$0x5], $0x90, s11, s12, $0xb8;
	[tilespmem:$0x1FB80] =	vst v63  }
0x67: {  	_ =	swait.ge [sflag:s18], $0x2400  }
0x68: {  	[sflag:s18] =	ssyncset.done $0x0  }
0x69: {  	s8 =	rddreg [dreg:$0x9];
	[sflag:s18] =	ssyncadd.s32 $0xFFFFDC00  }
0x6a: {  	[spmem:s2] =	stream.indirect.scatter.add.f32 [tilespmem:s14], [sflag:$0x6], $0x90, s8, s12, $0xb8;
	[tilespmem:$0x1FB80] =	vst v63  }
0x6b: {  	_ =	swait.ge [sflag:s19], $0x2400  }
0x6c: {  	[sflag:s19] =	ssyncset.done $0x0  }
0x6d: {  	s7 =	rddreg [dreg:$0xa];
	[sflag:s19] =	ssyncadd.s32 $0xFFFFDC00  }
0x6e: {  	[spmem:s2] =	stream.indirect.scatter.add.f32 [tilespmem:s15], [sflag:$0x7], $0x90, s7, s12, $0xb8;
	[tilespmem:$0x1FB80] =	vst v63  }
0x6f: {  	_ =	swait.ge [sflag:s20], $0x2400  }
0x70: {  	[sflag:s20] =	ssyncset.done $0x0  }
0x71: {  	s8 =	rddreg [dreg:$0xb];
	[sflag:s20] =	ssyncadd.s32 $0xFFFFDC00  }
0x72: {  	[spmem:s2] =	stream.indirect.scatter.add.f32 [tilespmem:s16], [sflag:$0x8], $0x90, s8, s12, $0xb8;
	[tilespmem:$0x1FB80] =	vst v63  }
0x73: {  	_ =	swait.ge [sflag:s21], $0x2400  }
0x74: {  	[sflag:s21] =	ssyncset.done $0x0  }
0x75: {  	s7 =	rddreg [dreg:$0xc];
	[sflag:s21] =	ssyncadd.s32 $0xFFFFDC00  }
0x76: {  	[tilespmem:s13], [sflag:$0x1] =	stream.indirect.gather [hbm4b:s4+s12], $0x90, s7, s12, $0xb8;
	[tilespmem:$0x1FB80] =	vst v63  }
0x77: {  	_ =	swait.ge [sflag:s22], $0x2400  }
0x78: {  	[sflag:s22] =	ssyncset.done $0x0  }
0x79: {  	s8 =	rddreg [dreg:$0xd];
	[sflag:s22] =	ssyncadd.s32 $0xFFFFDC00  }
0x7a: {  	[tilespmem:s14], [sflag:$0x2] =	stream.indirect.gather [hbm4b:s4+s12], $0x90, s8, s12, $0xb8;
	[tilespmem:$0x1FB80] =	vst v63  }
0x7b: {  	_ =	swait.ge [sflag:s23], $0x2400  }
0x7c: {  	[sflag:s23] =	ssyncset.done $0x0  }
0x7d: {  	s7 =	rddreg [dreg:$0xe];
	[sflag:s23] =	ssyncadd.s32 $0xFFFFDC00  }
0x7e: {  	[tilespmem:s15], [sflag:$0x3] =	stream.indirect.gather [hbm4b:s4+s12], $0x90, s7, s12, $0xb8;
	[tilespmem:$0x1FB80] =	vst v63  }
0x7f: {  	_ =	swait.ge [sflag:s24], $0x2400  }
0x80: {  	[sflag:s24] =	ssyncset.done $0x0  }
0x81: {  	s8 =	rddreg [dreg:$0xf];
	[sflag:s24] =	ssyncadd.s32 $0xFFFFDC00  }
0x82: {  	[tilespmem:s16], [sflag:$0x4] =	stream.indirect.gather [hbm4b:s4+s12], $0x90, s8, s12, $0xb8;
	[tilespmem:$0x1FB80] =	vst v63  }
0x83: {  	_ =	swait.ge [sflag:s17], $0x2400  }
0x84: {  	[sflag:s17] =	ssyncset.done $0x0  }
0x85: {  	s7 =	rddreg [dreg:$0x10];
	[sflag:s17] =	ssyncadd.s32 $0xFFFFDC00  }
0x86: {  	[spmem:s2] =	stream.indirect.scatter.add.f32 [tilespmem:s13], [sflag:$0x5], $0x90, s7, s12, $0xb8;
	[tilespmem:$0x1FB80] =	vst v63  }
0x87: {  	_ =	swait.ge [sflag:s18], $0x2400  }
0x88: {  	[sflag:s18] =	ssyncset.done $0x0  }
0x89: {  	s8 =	rddreg [dreg:$0x11];
	[sflag:s18] =	ssyncadd.s32 $0xFFFFDC00  }
0x8a: {  	[spmem:s2] =	stream.indirect.scatter.add.f32 [tilespmem:s14], [sflag:$0x6], $0x90, s8, s12, $0xb8;
	[tilespmem:$0x1FB80] =	vst v63  }
0x8b: {  	_ =	swait.ge [sflag:s19], $0x2400  }
0x8c: {  	[sflag:s19] =	ssyncset.done $0x0  }
0x8d: {  	s7 =	rddreg [dreg:$0x12];
	[sflag:s19] =	ssyncadd.s32 $0xFFFFDC00  }
0x8e: {  	[spmem:s2] =	stream.indirect.scatter.add.f32 [tilespmem:s15], [sflag:$0x7], $0x90, s7, s12, $0xb8;
	[tilespmem:$0x1FB80] =	vst v63  }
0x8f: {  	_ =	swait.ge [sflag:s20], $0x2400  }
0x90: {  	[sflag:s20] =	ssyncset.done $0x0  }
0x91: {  	s8 =	rddreg [dreg:$0x13];
	[sflag:s20] =	ssyncadd.s32 $0xFFFFDC00  }
0x92: {  	[spmem:s2] =	stream.indirect.scatter.add.f32 [tilespmem:s16], [sflag:$0x8], $0x90, s8, s12, $0xb8;
	[tilespmem:$0x1FB80] =	vst v63  }
0x93: {  	_ =	swait.ge [sflag:s21], $0x2400  }
0x94: {  	[sflag:s21] =	ssyncset.done $0x0  }
0x95: {  	s7 =	rddreg [dreg:$0x14];
	[sflag:s21] =	ssyncadd.s32 $0xFFFFDC00  }
0x96: {  	[tilespmem:s13], [sflag:$0x1] =	stream.indirect.gather [hbm4b:s4+s12], $0x90, s7, s12, $0xb8;
	[tilespmem:$0x1FB80] =	vst v63  }
0x97: {  	_ =	swait.ge [sflag:s22], $0x2400  }
0x98: {  	[sflag:s22] =	ssyncset.done $0x0  }
0x99: {  	s8 =	rddreg [dreg:$0x15];
	[sflag:s22] =	ssyncadd.s32 $0xFFFFDC00  }
0x9a: {  	[tilespmem:s14], [sflag:$0x2] =	stream.indirect.gather [hbm4b:s4+s12], $0x90, s8, s12, $0xb8;
	[tilespmem:$0x1FB80] =	vst v63  }
0x9b: {  	_ =	swait.ge [sflag:s23], $0x2400  }
0x9c: {  	[sflag:s23] =	ssyncset.done $0x0  }
0x9d: {  	s7 =	rddreg [dreg:$0x16];
	[sflag:s23] =	ssyncadd.s32 $0xFFFFDC00  }
0x9e: {  	[tilespmem:s15], [sflag:$0x3] =	stream.indirect.gather [hbm4b:s4+s12], $0x90, s7, s12, $0xb8;
	[tilespmem:$0x1FB80] =	vst v63  }
0x9f: {  	_ =	swait.ge [sflag:s24], $0x2400  }
0xa0: {  	[sflag:s24] =	ssyncset.done $0x0  }
0xa1: {  	s8 =	rddreg [dreg:$0x17];
	[sflag:s24] =	ssyncadd.s32 $0xFFFFDC00  }
0xa2: {  	[tilespmem:s16], [sflag:$0x4] =	stream.indirect.gather [hbm4b:s4+s12], $0x90, s8, s12, $0xb8;
	[tilespmem:$0x1FB80] =	vst v63  }
0xa3: {  	_ =	swait.ge [sflag:s17], $0x2400  }
0xa4: {  	[sflag:s17] =	ssyncset.done $0x0  }
0xa5: {  	s7 =	rddreg [dreg:$0x18];
	[sflag:s17] =	ssyncadd.s32 $0xFFFFDC00  }
0xa6: {  	[spmem:s2] =	stream.indirect.scatter.add.f32 [tilespmem:s13], [sflag:$0x5], $0x90, s7, s12, $0xb8;
	[tilespmem:$0x1FB80] =	vst v63  }
0xa7: {  	_ =	swait.ge [sflag:s18], $0x2400  }
0xa8: {  	[sflag:s18] =	ssyncset.done $0x0  }
0xa9: {  	s8 =	rddreg [dreg:$0x19];
	[sflag:s18] =	ssyncadd.s32 $0xFFFFDC00  }
0xaa: {  	[spmem:s2] =	stream.indirect.scatter.add.f32 [tilespmem:s14], [sflag:$0x6], $0x90, s8, s12, $0xb8;
	[tilespmem:$0x1FB80] =	vst v63  }
0xab: {  	_ =	swait.ge [sflag:s19], $0x2400  }
0xac: {  	[sflag:s19] =	ssyncset.done $0x0  }
0xad: {  	s7 =	rddreg [dreg:$0x1a];
	[sflag:s19] =	ssyncadd.s32 $0xFFFFDC00  }
0xae: {  	[spmem:s2] =	stream.indirect.scatter.add.f32 [tilespmem:s15], [sflag:$0x7], $0x90, s7, s12, $0xb8;
	[tilespmem:$0x1FB80] =	vst v63  }
0xaf: {  	_ =	swait.ge [sflag:s20], $0x2400  }
0xb0: {  	[sflag:s20] =	ssyncset.done $0x0  }
0xb1: {  	s8 =	rddreg [dreg:$0x1b];
	[sflag:s20] =	ssyncadd.s32 $0xFFFFDC00  }
0xb2: {  	[spmem:s2] =	stream.indirect.scatter.add.f32 [tilespmem:s16], [sflag:$0x8], $0x90, s8, s12, $0xb8;
	[tilespmem:$0x1FB80] =	vst v63  }
0xb3: {  	_ =	swait.ge [sflag:s21], $0x2400  }
0xb4: {  	[sflag:s21] =	ssyncset.done $0x0  }
0xb5: {  	[sflag:s21] =	ssyncadd.s32 $0xFFFFDC00  }
0xb6: {  	[tilespmem:s13], [sflag:$0x1] =	stream.indirect.gather [hbm4b:s4+s12], $0x90, s25, s12, $0xb8;
	[tilespmem:$0x1FB80] =	vst v63  }
0xb7: {  	_ =	swait.ge [sflag:s22], $0x2400  }
0xb8: {  	[sflag:s22] =	ssyncset.done $0x0  }
0xb9: {  	[sflag:s22] =	ssyncadd.s32 $0xFFFFDC00  }
0xba: {  	[tilespmem:s14], [sflag:$0x2] =	stream.indirect.gather [hbm4b:s4+s12], $0x90, s26, s12, $0xb8;
	[tilespmem:$0x1FB80] =	vst v63  }
0xbb: {  	_ =	swait.ge [sflag:s23], $0x2400  }
0xbc: {  	[sflag:s23] =	ssyncset.done $0x0  }
0xbd: {  	[sflag:s23] =	ssyncadd.s32 $0xFFFFDC00  }
0xbe: {  	[tilespmem:s15], [sflag:$0x3] =	stream.indirect.gather [hbm4b:s4+s12], $0x90, s28, s12, $0xb8;
	[tilespmem:$0x1FB80] =	vst v63  }
0xbf: {  	_ =	swait.ge [sflag:s24], $0x2400  }
0xc0: {  	[sflag:s24] =	ssyncset.done $0x0  }
0xc1: {  	[sflag:s24] =	ssyncadd.s32 $0xFFFFDC00  }
0xc2: {  	[tilespmem:s16], [sflag:$0x4] =	stream.indirect.gather [hbm4b:s4+s12], $0x90, s29, s12, $0xb8;
	[tilespmem:$0x1FB80] =	vst v63  }
0xc3: {  	_ =	swait.ge [sflag:s17], $0x2400  }
0xc4: {  	[sflag:s17] =	ssyncset.done $0x0  }
0xc5: {  	[sflag:s17] =	ssyncadd.s32 $0xFFFFDC00  }
0xc6: {  	[spmem:s2] =	stream.indirect.scatter.add.f32 [tilespmem:s13], [sflag:$0x5], $0x90, s30, s12, $0xb8;
	[tilespmem:$0x1FB80] =	vst v63  }
0xc7: {  	_ =	swait.ge [sflag:s18], $0x2400  }
0xc8: {  	[sflag:s18] =	ssyncset.done $0x0  }
0xc9: {  	[sflag:s18] =	ssyncadd.s32 $0xFFFFDC00  }
0xca: {  	[spmem:s2] =	stream.indirect.scatter.add.f32 [tilespmem:s14], [sflag:$0x6], $0x90, s31, s12, $0xb8;
	[tilespmem:$0x1FB80] =	vst v63  }
0xcb: {  	_ =	swait.ge [sflag:s19], $0x2400  }
0xcc: {  	[sflag:s19] =	ssyncset.done $0x0  }
0xcd: {  	[sflag:s19] =	ssyncadd.s32 $0xFFFFDC00  }
0xce: {  	[spmem:s2] =	stream.indirect.scatter.add.f32 [tilespmem:s15], [sflag:$0x7], $0x90, s1, s12, $0xb8;
	[tilespmem:$0x1FB80] =	vst v63  }
0xcf: {  	_ =	swait.ge [sflag:s20], $0x2400  }
0xd0: {  	[sflag:s20] =	ssyncset.done $0x0  }
0xd1: {  	[sflag:s20] =	ssyncadd.s32 $0xFFFFDC00  }
0xd2: {  	[spmem:s2] =	stream.indirect.scatter.add.f32 [tilespmem:s16], [sflag:$0x8], $0x90, s0, s12, $0xb8;
	[tilespmem:$0x1FB80] =	vst v63  }
0xd3: {  	_ =	swait.ge [sflag:s21], $0x2400  }
0xd4: {  	[sflag:s21] =	ssyncset.done $0x0  }
0xd5: {  	[sflag:s21] =	ssyncadd.s32 $0xFFFFDC00  }
0xd6: {  	_ =	swait.ge [sflag:s22], $0x2400  }
0xd7: {  	[sflag:s22] =	ssyncset.done $0x0  }
0xd8: {  	[sflag:s22] =	ssyncadd.s32 $0xFFFFDC00  }
0xd9: {  	_ =	swait.ge [sflag:s23], $0x2400  }
0xda: {  	[sflag:s23] =	ssyncset.done $0x0  }
0xdb: {  	[sflag:s23] =	ssyncadd.s32 $0xFFFFDC00  }
0xdc: {  	s5 =	simm.s32 $0x100;
	_ =	swait.ge [sflag:s24], $0x2400  }
0xdd: {  	s7 =	simm.s32 $0x80;
	s8 =	rddreg [dreg:$0x4];
	[sflag:s24] =	ssyncset.done $0x0  }
.LBB2_4:
0xde: {  	[sflag:s24] =	ssyncadd.s32 $0xFFFFDC00;
	s8 =	sadd.s32 s7, s8  }
0xdf: {  	[tilespmem:s10], [sflag:$0x9] =	stream.linear.gather [hbm4b:s8+s3], $0x400, $0x38;
	[tilespmem:$0x1FB80] =	vst v63  }
0xe0: {  	_ =	swait.ge [sflag:s9], $0x400  }
0xe1: {  	s8 =	rddreg [dreg:$0x5];
	[sflag:s9] =	ssyncset.done $0x0  }
0xe2: {  	[sflag:s9] =	ssyncadd.s32 $0xFFFFFC00;
	s8 =	sadd.s32 s7, s8  }
0xe3: {  	[tilespmem:s11], [sflag:$0x9] =	stream.linear.gather [hbm4b:s8+s3], $0x400, $0x38;
	[tilespmem:$0x1FB80] =	vst v63  }
0xe4: {  	_ =	swait.ge [sflag:s9], $0x400  }
0xe5: {  	[sflag:s9] =	ssyncset.done $0x0  }
0xe6: {  	[sflag:s9] =	ssyncadd.s32 $0xFFFFFC00  }
0xe7: {  	[tilespmem:s13], [sflag:$0x1] =	stream.indirect.gather [hbm4b:s4+s12], $0x90, s10, s12, $0xb8;
	[tilespmem:$0x1FB80] =	vst v63  }
0xe8: {  	s25 =	smov.u32 s5;
	s8 =	rddreg [dreg:$0x6]  }
0xe9: {  	[tilespmem:s14], [sflag:$0x2] =	stream.indirect.gather [hbm4b:s4+s12], $0x90, s8, s12, $0xb8;
	[tilespmem:$0x1FB80] =	vst v63  }
0xea: {  	s7 =	smov.u32 s25;
	s25 =	rddreg [dreg:$0x7]  }
0xeb: {  	[tilespmem:s15], [sflag:$0x3] =	stream.indirect.gather [hbm4b:s4+s12], $0x90, s25, s12, $0xb8;
	[tilespmem:$0x1FB80] =	vst v63  }
0xec: {  	s8 =	rddreg [dreg:$0x8]  }
0xed: {  	[tilespmem:s16], [sflag:$0x4] =	stream.indirect.gather [hbm4b:s4+s12], $0x90, s8, s12, $0xb8;
	[tilespmem:$0x1FB80] =	vst v63  }
0xee: {  	_ =	swait.ge [sflag:s17], $0x2400  }
0xef: {  	[sflag:s17] =	ssyncset.done $0x0  }
0xf0: {  	[sflag:s17] =	ssyncadd.s32 $0xFFFFDC00  }
0xf1: {  	[spmem:s2] =	stream.indirect.scatter.add.f32 [tilespmem:s13], [sflag:$0x5], $0x90, s11, s12, $0xb8;
	[tilespmem:$0x1FB80] =	vst v63  }
0xf2: {  	_ =	swait.ge [sflag:s18], $0x2400  }
0xf3: {  	[sflag:s18] =	ssyncset.done $0x0  }
0xf4: {  	s8 =	rddreg [dreg:$0x9];
	[sflag:s18] =	ssyncadd.s32 $0xFFFFDC00  }
0xf5: {  	[spmem:s2] =	stream.indirect.scatter.add.f32 [tilespmem:s14], [sflag:$0x6], $0x90, s8, s12, $0xb8;
	[tilespmem:$0x1FB80] =	vst v63  }
0xf6: {  	_ =	swait.ge [sflag:s19], $0x2400  }
0xf7: {  	[sflag:s19] =	ssyncset.done $0x0  }
0xf8: {  	s8 =	rddreg [dreg:$0xa];
	[sflag:s19] =	ssyncadd.s32 $0xFFFFDC00  }
0xf9: {  	[spmem:s2] =	stream.indirect.scatter.add.f32 [tilespmem:s15], [sflag:$0x7], $0x90, s8, s12, $0xb8;
	[tilespmem:$0x1FB80] =	vst v63  }
0xfa: {  	_ =	swait.ge [sflag:s20], $0x2400  }
0xfb: {  	[sflag:s20] =	ssyncset.done $0x0  }
0xfc: {  	s8 =	rddreg [dreg:$0xb];
	[sflag:s20] =	ssyncadd.s32 $0xFFFFDC00  }
0xfd: {  	[spmem:s2] =	stream.indirect.scatter.add.f32 [tilespmem:s16], [sflag:$0x8], $0x90, s8, s12, $0xb8;
	[tilespmem:$0x1FB80] =	vst v63  }
0xfe: {  	_ =	swait.ge [sflag:s21], $0x2400  }
0xff: {  	[sflag:s21] =	ssyncset.done $0x0  }
0x100: {  	s8 =	rddreg [dreg:$0xc];
	[sflag:s21] =	ssyncadd.s32 $0xFFFFDC00  }
0x101: {  	[tilespmem:s13], [sflag:$0x1] =	stream.indirect.gather [hbm4b:s4+s12], $0x90, s8, s12, $0xb8;
	[tilespmem:$0x1FB80] =	vst v63  }
0x102: {  	_ =	swait.ge [sflag:s22], $0x2400  }
0x103: {  	[sflag:s22] =	ssyncset.done $0x0  }
0x104: {  	s8 =	rddreg [dreg:$0xd];
	[sflag:s22] =	ssyncadd.s32 $0xFFFFDC00  }
0x105: {  	[tilespmem:s14], [sflag:$0x2] =	stream.indirect.gather [hbm4b:s4+s12], $0x90, s8, s12, $0xb8;
	[tilespmem:$0x1FB80] =	vst v63  }
0x106: {  	_ =	swait.ge [sflag:s23], $0x2400  }
0x107: {  	[sflag:s23] =	ssyncset.done $0x0  }
0x108: {  	s8 =	rddreg [dreg:$0xe];
	[sflag:s23] =	ssyncadd.s32 $0xFFFFDC00  }
0x109: {  	[tilespmem:s15], [sflag:$0x3] =	stream.indirect.gather [hbm4b:s4+s12], $0x90, s8, s12, $0xb8;
	[tilespmem:$0x1FB80] =	vst v63  }
0x10a: {  	_ =	swait.ge [sflag:s24], $0x2400  }
0x10b: {  	[sflag:s24] =	ssyncset.done $0x0  }
0x10c: {  	s8 =	rddreg [dreg:$0xf];
	[sflag:s24] =	ssyncadd.s32 $0xFFFFDC00  }
0x10d: {  	[tilespmem:s16], [sflag:$0x4] =	stream.indirect.gather [hbm4b:s4+s12], $0x90, s8, s12, $0xb8;
	[tilespmem:$0x1FB80] =	vst v63  }
0x10e: {  	_ =	swait.ge [sflag:s17], $0x2400  }
0x10f: {  	[sflag:s17] =	ssyncset.done $0x0  }
0x110: {  	s8 =	rddreg [dreg:$0x10];
	[sflag:s17] =	ssyncadd.s32 $0xFFFFDC00  }
0x111: {  	[spmem:s2] =	stream.indirect.scatter.add.f32 [tilespmem:s13], [sflag:$0x5], $0x90, s8, s12, $0xb8;
	[tilespmem:$0x1FB80] =	vst v63  }
0x112: {  	_ =	swait.ge [sflag:s18], $0x2400  }
0x113: {  	[sflag:s18] =	ssyncset.done $0x0  }
0x114: {  	s8 =	rddreg [dreg:$0x11];
	[sflag:s18] =	ssyncadd.s32 $0xFFFFDC00  }
0x115: {  	[spmem:s2] =	stream.indirect.scatter.add.f32 [tilespmem:s14], [sflag:$0x6], $0x90, s8, s12, $0xb8;
	[tilespmem:$0x1FB80] =	vst v63  }
0x116: {  	_ =	swait.ge [sflag:s19], $0x2400  }
0x117: {  	[sflag:s19] =	ssyncset.done $0x0  }
0x118: {  	s8 =	rddreg [dreg:$0x12];
	[sflag:s19] =	ssyncadd.s32 $0xFFFFDC00  }
0x119: {  	[spmem:s2] =	stream.indirect.scatter.add.f32 [tilespmem:s15], [sflag:$0x7], $0x90, s8, s12, $0xb8;
	[tilespmem:$0x1FB80] =	vst v63  }
0x11a: {  	_ =	swait.ge [sflag:s20], $0x2400  }
0x11b: {  	[sflag:s20] =	ssyncset.done $0x0  }
0x11c: {  	s8 =	rddreg [dreg:$0x13];
	[sflag:s20] =	ssyncadd.s32 $0xFFFFDC00  }
0x11d: {  	[spmem:s2] =	stream.indirect.scatter.add.f32 [tilespmem:s16], [sflag:$0x8], $0x90, s8, s12, $0xb8;
	[tilespmem:$0x1FB80] =	vst v63  }
0x11e: {  	_ =	swait.ge [sflag:s21], $0x2400  }
0x11f: {  	[sflag:s21] =	ssyncset.done $0x0  }
0x120: {  	s8 =	rddreg [dreg:$0x14];
	[sflag:s21] =	ssyncadd.s32 $0xFFFFDC00  }
0x121: {  	[tilespmem:s13], [sflag:$0x1] =	stream.indirect.gather [hbm4b:s4+s12], $0x90, s8, s12, $0xb8;
	[tilespmem:$0x1FB80] =	vst v63  }
0x122: {  	_ =	swait.ge [sflag:s22], $0x2400  }
0x123: {  	[sflag:s22] =	ssyncset.done $0x0  }
0x124: {  	s8 =	rddreg [dreg:$0x15];
	[sflag:s22] =	ssyncadd.s32 $0xFFFFDC00  }
0x125: {  	[tilespmem:s14], [sflag:$0x2] =	stream.indirect.gather [hbm4b:s4+s12], $0x90, s8, s12, $0xb8;
	[tilespmem:$0x1FB80] =	vst v63  }
0x126: {  	_ =	swait.ge [sflag:s23], $0x2400  }
0x127: {  	[sflag:s23] =	ssyncset.done $0x0  }
0x128: {  	s8 =	rddreg [dreg:$0x16];
	[sflag:s23] =	ssyncadd.s32 $0xFFFFDC00  }
0x129: {  	[tilespmem:s15], [sflag:$0x3] =	stream.indirect.gather [hbm4b:s4+s12], $0x90, s8, s12, $0xb8;
	[tilespmem:$0x1FB80] =	vst v63  }
0x12a: {  	_ =	swait.ge [sflag:s24], $0x2400  }
0x12b: {  	[sflag:s24] =	ssyncset.done $0x0  }
0x12c: {  	s8 =	rddreg [dreg:$0x17];
	[sflag:s24] =	ssyncadd.s32 $0xFFFFDC00  }
0x12d: {  	[tilespmem:s16], [sflag:$0x4] =	stream.indirect.gather [hbm4b:s4+s12], $0x90, s8, s12, $0xb8;
	[tilespmem:$0x1FB80] =	vst v63  }
0x12e: {  	_ =	swait.ge [sflag:s17], $0x2400  }
0x12f: {  	[sflag:s17] =	ssyncset.done $0x0  }
0x130: {  	s8 =	rddreg [dreg:$0x18];
	[sflag:s17] =	ssyncadd.s32 $0xFFFFDC00  }
0x131: {  	[spmem:s2] =	stream.indirect.scatter.add.f32 [tilespmem:s13], [sflag:$0x5], $0x90, s8, s12, $0xb8;
	[tilespmem:$0x1FB80] =	vst v63  }
0x132: {  	_ =	swait.ge [sflag:s18], $0x2400  }
0x133: {  	[sflag:s18] =	ssyncset.done $0x0  }
0x134: {  	s8 =	rddreg [dreg:$0x19];
	[sflag:s18] =	ssyncadd.s32 $0xFFFFDC00  }
0x135: {  	[spmem:s2] =	stream.indirect.scatter.add.f32 [tilespmem:s14], [sflag:$0x6], $0x90, s8, s12, $0xb8;
	[tilespmem:$0x1FB80] =	vst v63  }
0x136: {  	_ =	swait.ge [sflag:s19], $0x2400  }
0x137: {  	[sflag:s19] =	ssyncset.done $0x0  }
0x138: {  	s8 =	rddreg [dreg:$0x1a];
	[sflag:s19] =	ssyncadd.s32 $0xFFFFDC00  }
0x139: {  	[spmem:s2] =	stream.indirect.scatter.add.f32 [tilespmem:s15], [sflag:$0x7], $0x90, s8, s12, $0xb8;
	[tilespmem:$0x1FB80] =	vst v63  }
0x13a: {  	_ =	swait.ge [sflag:s20], $0x2400  }
0x13b: {  	[sflag:s20] =	ssyncset.done $0x0  }
0x13c: {  	s8 =	rddreg [dreg:$0x1b];
	[sflag:s20] =	ssyncadd.s32 $0xFFFFDC00  }
0x13d: {  	[spmem:s2] =	stream.indirect.scatter.add.f32 [tilespmem:s16], [sflag:$0x8], $0x90, s8, s12, $0xb8;
	[tilespmem:$0x1FB80] =	vst v63  }
0x13e: {  	_ =	swait.ge [sflag:s21], $0x2400  }
0x13f: {  	[sflag:s21] =	ssyncset.done $0x0  }
0x140: {  	s25 =	simm.s32 $0x16440;
	[sflag:s21] =	ssyncadd.s32 $0xFFFFDC00  }
0x141: {  	[tilespmem:s13], [sflag:$0x1] =	stream.indirect.gather [hbm4b:s4+s12], $0x90, s25, s12, $0xb8;
	[tilespmem:$0x1FB80] =	vst v63  }
0x142: {  	_ =	swait.ge [sflag:s22], $0x2400  }
0x143: {  	[sflag:s22] =	ssyncset.done $0x0  }
0x144: {  	[sflag:s22] =	ssyncadd.s32 $0xFFFFDC00  }
0x145: {  	[tilespmem:s14], [sflag:$0x2] =	stream.indirect.gather [hbm4b:s4+s12], $0x90, s26, s12, $0xb8;
	[tilespmem:$0x1FB80] =	vst v63  }
0x146: {  	_ =	swait.ge [sflag:s23], $0x2400  }
0x147: {  	[sflag:s23] =	ssyncset.done $0x0  }
0x148: {  	[sflag:s23] =	ssyncadd.s32 $0xFFFFDC00  }
0x149: {  	[tilespmem:s15], [sflag:$0x3] =	stream.indirect.gather [hbm4b:s4+s12], $0x90, s28, s12, $0xb8;
	[tilespmem:$0x1FB80] =	vst v63  }
0x14a: {  	_ =	swait.ge [sflag:s24], $0x2400  }
0x14b: {  	[sflag:s24] =	ssyncset.done $0x0  }
0x14c: {  	[sflag:s24] =	ssyncadd.s32 $0xFFFFDC00  }
0x14d: {  	[tilespmem:s16], [sflag:$0x4] =	stream.indirect.gather [hbm4b:s4+s12], $0x90, s29, s12, $0xb8;
	[tilespmem:$0x1FB80] =	vst v63  }
0x14e: {  	_ =	swait.ge [sflag:s17], $0x2400  }
0x14f: {  	[sflag:s17] =	ssyncset.done $0x0  }
0x150: {  	[sflag:s17] =	ssyncadd.s32 $0xFFFFDC00  }
0x151: {  	[spmem:s2] =	stream.indirect.scatter.add.f32 [tilespmem:s13], [sflag:$0x5], $0x90, s30, s12, $0xb8;
	[tilespmem:$0x1FB80] =	vst v63  }
0x152: {  	_ =	swait.ge [sflag:s18], $0x2400  }
0x153: {  	[sflag:s18] =	ssyncset.done $0x0  }
0x154: {  	[sflag:s18] =	ssyncadd.s32 $0xFFFFDC00  }
0x155: {  	[spmem:s2] =	stream.indirect.scatter.add.f32 [tilespmem:s14], [sflag:$0x6], $0x90, s31, s12, $0xb8;
	[tilespmem:$0x1FB80] =	vst v63  }
0x156: {  	_ =	swait.ge [sflag:s19], $0x2400  }
0x157: {  	[sflag:s19] =	ssyncset.done $0x0  }
0x158: {  	[sflag:s19] =	ssyncadd.s32 $0xFFFFDC00  }
0x159: {  	[spmem:s2] =	stream.indirect.scatter.add.f32 [tilespmem:s15], [sflag:$0x7], $0x90, s1, s12, $0xb8;
	[tilespmem:$0x1FB80] =	vst v63  }
0x15a: {  	_ =	swait.ge [sflag:s20], $0x2400  }
0x15b: {  	[sflag:s20] =	ssyncset.done $0x0  }
0x15c: {  	[sflag:s20] =	ssyncadd.s32 $0xFFFFDC00  }
0x15d: {  	[spmem:s2] =	stream.indirect.scatter.add.f32 [tilespmem:s16], [sflag:$0x8], $0x90, s0, s12, $0xb8;
	[tilespmem:$0x1FB80] =	vst v63  }
0x15e: {  	_ =	swait.ge [sflag:s21], $0x2400  }
0x15f: {  	[sflag:s21] =	ssyncset.done $0x0  }
0x160: {  	[sflag:s21] =	ssyncadd.s32 $0xFFFFDC00  }
0x161: {  	_ =	swait.ge [sflag:s22], $0x2400  }
0x162: {  	[sflag:s22] =	ssyncset.done $0x0  }
0x163: {  	p0 =	sne.s32 s5, $0x480;
	[sflag:s22] =	ssyncadd.s32 $0xFFFFDC00  }
.Ltmp1:
0x164: {  	_ =	swait.ge [sflag:s23], $0x2400;
	(pc) =	sbr.rel @p0 .LBB2_4-.Ltmp1, $4  }
0x165: {  	[sflag:s23] =	ssyncset.done $0x0  }
0x166: {  	[sflag:s23] =	ssyncadd.s32 $0xFFFFDC00  }
0x167: {  	_ =	swait.ge [sflag:s24], $0x2400  }
0x168: {  	s5 =	sadd.s32 $0x80, s5;
	s8 =	rddreg [dreg:$0x4];
	[sflag:s24] =	ssyncset.done $0x0  }
0x169: {  	[sflag:s24] =	ssyncadd.s32 $0xFFFFDC00;
	s5 =	sadd.s32 s7, s8  }
0x16a: {  	[tilespmem:s10], [sflag:$0x9] =	stream.linear.gather [hbm4b:s5+s3], $0x400, $0x38;
	[tilespmem:$0x1FB80] =	vst v63  }
0x16b: {  	_ =	swait.ge [sflag:s9], $0x400  }
0x16c: {  	s8 =	rddreg [dreg:$0x5];
	[sflag:s9] =	ssyncset.done $0x0  }
0x16d: {  	[sflag:s9] =	ssyncadd.s32 $0xFFFFFC00;
	s5 =	sadd.s32 s7, s8  }
0x16e: {  	[tilespmem:s11], [sflag:$0x9] =	stream.linear.gather [hbm4b:s5+s3], $0x400, $0x38;
	[tilespmem:$0x1FB80] =	vst v63  }
0x16f: {  	_ =	swait.ge [sflag:s9], $0x400  }
0x170: {  	[sflag:s9] =	ssyncset.done $0x0  }
0x171: {  	[sflag:s9] =	ssyncadd.s32 $0xFFFFFC00  }
0x172: {  	[tilespmem:s13], [sflag:$0x1] =	stream.indirect.gather [hbm4b:s4+s12], $0x90, s10, s12, $0xb8;
	[tilespmem:$0x1FB80] =	vst v63  }
0x173: {  	s8 =	rddreg [dreg:$0x6]  }
0x174: {  	[tilespmem:s14], [sflag:$0x2] =	stream.indirect.gather [hbm4b:s4+s12], $0x90, s8, s12, $0xb8;
	[tilespmem:$0x1FB80] =	vst v63  }
0x175: {  	s7 =	rddreg [dreg:$0x7]  }
0x176: {  	[tilespmem:s15], [sflag:$0x3] =	stream.indirect.gather [hbm4b:s4+s12], $0x90, s7, s12, $0xb8;
	[tilespmem:$0x1FB80] =	vst v63  }
0x177: {  	s8 =	rddreg [dreg:$0x8]  }
0x178: {  	[tilespmem:s16], [sflag:$0x4] =	stream.indirect.gather [hbm4b:s4+s12], $0x90, s8, s12, $0xb8;
	[tilespmem:$0x1FB80] =	vst v63  }
0x179: {  	_ =	swait.ge [sflag:s17], $0x2400  }
0x17a: {  	[sflag:s17] =	ssyncset.done $0x0  }
0x17b: {  	[sflag:s17] =	ssyncadd.s32 $0xFFFFDC00  }
0x17c: {  	[spmem:s2] =	stream.indirect.scatter.add.f32 [tilespmem:s13], [sflag:$0x5], $0x90, s11, s12, $0xb8;
	[tilespmem:$0x1FB80] =	vst v63  }
0x17d: {  	_ =	swait.ge [sflag:s18], $0x2400  }
0x17e: {  	[sflag:s18] =	ssyncset.done $0x0  }
0x17f: {  	s7 =	rddreg [dreg:$0x9];
	[sflag:s18] =	ssyncadd.s32 $0xFFFFDC00  }
0x180: {  	[spmem:s2] =	stream.indirect.scatter.add.f32 [tilespmem:s14], [sflag:$0x6], $0x90, s7, s12, $0xb8;
	[tilespmem:$0x1FB80] =	vst v63  }
0x181: {  	_ =	swait.ge [sflag:s19], $0x2400  }
0x182: {  	[sflag:s19] =	ssyncset.done $0x0  }
0x183: {  	s8 =	rddreg [dreg:$0xa];
	[sflag:s19] =	ssyncadd.s32 $0xFFFFDC00  }
0x184: {  	[spmem:s2] =	stream.indirect.scatter.add.f32 [tilespmem:s15], [sflag:$0x7], $0x90, s8, s12, $0xb8;
	[tilespmem:$0x1FB80] =	vst v63  }
0x185: {  	_ =	swait.ge [sflag:s20], $0x2400  }
0x186: {  	[sflag:s20] =	ssyncset.done $0x0  }
0x187: {  	s7 =	rddreg [dreg:$0xb];
	[sflag:s20] =	ssyncadd.s32 $0xFFFFDC00  }
0x188: {  	[spmem:s2] =	stream.indirect.scatter.add.f32 [tilespmem:s16], [sflag:$0x8], $0x90, s7, s12, $0xb8;
	[tilespmem:$0x1FB80] =	vst v63  }
0x189: {  	_ =	swait.ge [sflag:s21], $0x2400  }
0x18a: {  	[sflag:s21] =	ssyncset.done $0x0  }
0x18b: {  	s8 =	rddreg [dreg:$0xc];
	[sflag:s21] =	ssyncadd.s32 $0xFFFFDC00  }
0x18c: {  	[tilespmem:s13], [sflag:$0x1] =	stream.indirect.gather [hbm4b:s4+s12], $0x90, s8, s12, $0xb8;
	[tilespmem:$0x1FB80] =	vst v63  }
0x18d: {  	_ =	swait.ge [sflag:s22], $0x2400  }
0x18e: {  	[sflag:s22] =	ssyncset.done $0x0  }
0x18f: {  	s7 =	rddreg [dreg:$0xd];
	[sflag:s22] =	ssyncadd.s32 $0xFFFFDC00  }
0x190: {  	[tilespmem:s14], [sflag:$0x2] =	stream.indirect.gather [hbm4b:s4+s12], $0x90, s7, s12, $0xb8;
	[tilespmem:$0x1FB80] =	vst v63  }
0x191: {  	_ =	swait.ge [sflag:s23], $0x2400  }
0x192: {  	[sflag:s23] =	ssyncset.done $0x0  }
0x193: {  	s8 =	rddreg [dreg:$0xe];
	[sflag:s23] =	ssyncadd.s32 $0xFFFFDC00  }
0x194: {  	[tilespmem:s15], [sflag:$0x3] =	stream.indirect.gather [hbm4b:s4+s12], $0x90, s8, s12, $0xb8;
	[tilespmem:$0x1FB80] =	vst v63  }
0x195: {  	_ =	swait.ge [sflag:s24], $0x2400  }
0x196: {  	[sflag:s24] =	ssyncset.done $0x0  }
0x197: {  	s7 =	rddreg [dreg:$0xf];
	[sflag:s24] =	ssyncadd.s32 $0xFFFFDC00  }
0x198: {  	[tilespmem:s16], [sflag:$0x4] =	stream.indirect.gather [hbm4b:s4+s12], $0x90, s7, s12, $0xb8;
	[tilespmem:$0x1FB80] =	vst v63  }
0x199: {  	_ =	swait.ge [sflag:s17], $0x2400  }
0x19a: {  	[sflag:s17] =	ssyncset.done $0x0  }
0x19b: {  	s8 =	rddreg [dreg:$0x10];
	[sflag:s17] =	ssyncadd.s32 $0xFFFFDC00  }
0x19c: {  	[spmem:s2] =	stream.indirect.scatter.add.f32 [tilespmem:s13], [sflag:$0x5], $0x90, s8, s12, $0xb8;
	[tilespmem:$0x1FB80] =	vst v63  }
0x19d: {  	_ =	swait.ge [sflag:s18], $0x2400  }
0x19e: {  	[sflag:s18] =	ssyncset.done $0x0  }
0x19f: {  	s7 =	rddreg [dreg:$0x11];
	[sflag:s18] =	ssyncadd.s32 $0xFFFFDC00  }
0x1a0: {  	[spmem:s2] =	stream.indirect.scatter.add.f32 [tilespmem:s14], [sflag:$0x6], $0x90, s7, s12, $0xb8;
	[tilespmem:$0x1FB80] =	vst v63  }
0x1a1: {  	_ =	swait.ge [sflag:s19], $0x2400  }
0x1a2: {  	[sflag:s19] =	ssyncset.done $0x0  }
0x1a3: {  	s8 =	rddreg [dreg:$0x12];
	[sflag:s19] =	ssyncadd.s32 $0xFFFFDC00  }
0x1a4: {  	[spmem:s2] =	stream.indirect.scatter.add.f32 [tilespmem:s15], [sflag:$0x7], $0x90, s8, s12, $0xb8;
	[tilespmem:$0x1FB80] =	vst v63  }
0x1a5: {  	_ =	swait.ge [sflag:s20], $0x2400  }
0x1a6: {  	[sflag:s20] =	ssyncset.done $0x0  }
0x1a7: {  	s7 =	rddreg [dreg:$0x13];
	[sflag:s20] =	ssyncadd.s32 $0xFFFFDC00  }
0x1a8: {  	[spmem:s2] =	stream.indirect.scatter.add.f32 [tilespmem:s16], [sflag:$0x8], $0x90, s7, s12, $0xb8;
	[tilespmem:$0x1FB80] =	vst v63  }
0x1a9: {  	_ =	swait.ge [sflag:s21], $0x2400  }
0x1aa: {  	[sflag:s21] =	ssyncset.done $0x0  }
0x1ab: {  	s8 =	rddreg [dreg:$0x14];
	[sflag:s21] =	ssyncadd.s32 $0xFFFFDC00  }
0x1ac: {  	[tilespmem:s13], [sflag:$0x1] =	stream.indirect.gather [hbm4b:s4+s12], $0x90, s8, s12, $0xb8;
	[tilespmem:$0x1FB80] =	vst v63  }
0x1ad: {  	_ =	swait.ge [sflag:s22], $0x2400  }
0x1ae: {  	[sflag:s22] =	ssyncset.done $0x0  }
0x1af: {  	s7 =	rddreg [dreg:$0x15];
	[sflag:s22] =	ssyncadd.s32 $0xFFFFDC00  }
0x1b0: {  	[tilespmem:s14], [sflag:$0x2] =	stream.indirect.gather [hbm4b:s4+s12], $0x90, s7, s12, $0xb8;
	[tilespmem:$0x1FB80] =	vst v63  }
0x1b1: {  	_ =	swait.ge [sflag:s23], $0x2400  }
0x1b2: {  	[sflag:s23] =	ssyncset.done $0x0  }
0x1b3: {  	s8 =	rddreg [dreg:$0x16];
	[sflag:s23] =	ssyncadd.s32 $0xFFFFDC00  }
0x1b4: {  	[tilespmem:s15], [sflag:$0x3] =	stream.indirect.gather [hbm4b:s4+s12], $0x90, s8, s12, $0xb8;
	[tilespmem:$0x1FB80] =	vst v63  }
0x1b5: {  	_ =	swait.ge [sflag:s24], $0x2400  }
0x1b6: {  	[sflag:s24] =	ssyncset.done $0x0  }
0x1b7: {  	s7 =	rddreg [dreg:$0x17];
	[sflag:s24] =	ssyncadd.s32 $0xFFFFDC00  }
0x1b8: {  	[tilespmem:s16], [sflag:$0x4] =	stream.indirect.gather [hbm4b:s4+s12], $0x90, s7, s12, $0xb8;
	[tilespmem:$0x1FB80] =	vst v63  }
0x1b9: {  	_ =	swait.ge [sflag:s17], $0x2400  }
0x1ba: {  	[sflag:s17] =	ssyncset.done $0x0  }
0x1bb: {  	s8 =	rddreg [dreg:$0x18];
	[sflag:s17] =	ssyncadd.s32 $0xFFFFDC00  }
0x1bc: {  	[spmem:s2] =	stream.indirect.scatter.add.f32 [tilespmem:s13], [sflag:$0x5], $0x90, s8, s12, $0xb8;
	[tilespmem:$0x1FB80] =	vst v63  }
0x1bd: {  	_ =	swait.ge [sflag:s18], $0x2400  }
0x1be: {  	[sflag:s18] =	ssyncset.done $0x0  }
0x1bf: {  	s7 =	rddreg [dreg:$0x19];
	[sflag:s18] =	ssyncadd.s32 $0xFFFFDC00  }
0x1c0: {  	[spmem:s2] =	stream.indirect.scatter.add.f32 [tilespmem:s14], [sflag:$0x6], $0x90, s7, s12, $0xb8;
	[tilespmem:$0x1FB80] =	vst v63  }
0x1c1: {  	_ =	swait.ge [sflag:s19], $0x2400  }
0x1c2: {  	[sflag:s19] =	ssyncset.done $0x0  }
0x1c3: {  	s8 =	rddreg [dreg:$0x1a];
	[sflag:s19] =	ssyncadd.s32 $0xFFFFDC00  }
0x1c4: {  	[spmem:s2] =	stream.indirect.scatter.add.f32 [tilespmem:s15], [sflag:$0x7], $0x90, s8, s12, $0xb8;
	[tilespmem:$0x1FB80] =	vst v63  }
0x1c5: {  	_ =	swait.ge [sflag:s20], $0x2400  }
0x1c6: {  	[sflag:s20] =	ssyncset.done $0x0  }
0x1c7: {  	s7 =	rddreg [dreg:$0x1b];
	[sflag:s20] =	ssyncadd.s32 $0xFFFFDC00  }
0x1c8: {  	[spmem:s2] =	stream.indirect.scatter.add.f32 [tilespmem:s16], [sflag:$0x8], $0x90, s7, s12, $0xb8;
	[tilespmem:$0x1FB80] =	vst v63  }
0x1c9: {  	_ =	swait.ge [sflag:s21], $0x2400  }
0x1ca: {  	[sflag:s21] =	ssyncset.done $0x0  }
0x1cb: {  	[sflag:s21] =	ssyncadd.s32 $0xFFFFDC00  }
0x1cc: {  	[tilespmem:s13], [sflag:$0x1] =	stream.indirect.gather [hbm4b:s4+s12], $0x90, s25, s12, $0xb8;
	[tilespmem:$0x1FB80] =	vst v63  }
0x1cd: {  	_ =	swait.ge [sflag:s22], $0x2400  }
0x1ce: {  	[sflag:s22] =	ssyncset.done $0x0  }
0x1cf: {  	[sflag:s22] =	ssyncadd.s32 $0xFFFFDC00  }
0x1d0: {  	[tilespmem:s14], [sflag:$0x2] =	stream.indirect.gather [hbm4b:s4+s12], $0x90, s26, s12, $0xb8;
	[tilespmem:$0x1FB80] =	vst v63  }
0x1d1: {  	_ =	swait.ge [sflag:s23], $0x2400  }
0x1d2: {  	[sflag:s23] =	ssyncset.done $0x0  }
0x1d3: {  	[sflag:s23] =	ssyncadd.s32 $0xFFFFDC00  }
0x1d4: {  	[tilespmem:s15], [sflag:$0x3] =	stream.indirect.gather [hbm4b:s4+s12], $0x90, s28, s12, $0xb8;
	[tilespmem:$0x1FB80] =	vst v63  }
0x1d5: {  	_ =	swait.ge [sflag:s24], $0x2400  }
0x1d6: {  	[sflag:s24] =	ssyncset.done $0x0  }
0x1d7: {  	[sflag:s24] =	ssyncadd.s32 $0xFFFFDC00  }
0x1d8: {  	[tilespmem:s16], [sflag:$0x4] =	stream.indirect.gather [hbm4b:s4+s12], $0x90, s29, s12, $0xb8;
	[tilespmem:$0x1FB80] =	vst v63  }
0x1d9: {  	_ =	swait.ge [sflag:s17], $0x2400  }
0x1da: {  	[sflag:s17] =	ssyncset.done $0x0  }
0x1db: {  	[sflag:s17] =	ssyncadd.s32 $0xFFFFDC00  }
0x1dc: {  	[spmem:s2] =	stream.indirect.scatter.add.f32 [tilespmem:s13], [sflag:$0x5], $0x90, s30, s12, $0xb8;
	[tilespmem:$0x1FB80] =	vst v63  }
0x1dd: {  	_ =	swait.ge [sflag:s18], $0x2400  }
0x1de: {  	[sflag:s18] =	ssyncset.done $0x0  }
0x1df: {  	[sflag:s18] =	ssyncadd.s32 $0xFFFFDC00  }
0x1e0: {  	[spmem:s2] =	stream.indirect.scatter.add.f32 [tilespmem:s14], [sflag:$0x6], $0x90, s31, s12, $0xb8;
	[tilespmem:$0x1FB80] =	vst v63  }
0x1e1: {  	_ =	swait.ge [sflag:s19], $0x2400  }
0x1e2: {  	[sflag:s19] =	ssyncset.done $0x0  }
0x1e3: {  	[sflag:s19] =	ssyncadd.s32 $0xFFFFDC00  }
0x1e4: {  	[spmem:s2] =	stream.indirect.scatter.add.f32 [tilespmem:s15], [sflag:$0x7], $0x90, s1, s12, $0xb8;
	[tilespmem:$0x1FB80] =	vst v63  }
0x1e5: {  	_ =	swait.ge [sflag:s20], $0x2400  }
0x1e6: {  	[sflag:s20] =	ssyncset.done $0x0  }
0x1e7: {  	[sflag:s20] =	ssyncadd.s32 $0xFFFFDC00  }
0x1e8: {  	[spmem:s2] =	stream.indirect.scatter.add.f32 [tilespmem:s16], [sflag:$0x8], $0x90, s0, s12, $0xb8;
	[tilespmem:$0x1FB80] =	vst v63  }
0x1e9: {  	_ =	swait.ge [sflag:s21], $0x2400  }
0x1ea: {  	[sflag:s21] =	ssyncset.done $0x0  }
0x1eb: {  	[sflag:s21] =	ssyncadd.s32 $0xFFFFDC00  }
0x1ec: {  	_ =	swait.ge [sflag:s22], $0x2400  }
0x1ed: {  	[sflag:s22] =	ssyncset.done $0x0  }
0x1ee: {  	[sflag:s22] =	ssyncadd.s32 $0xFFFFDC00  }
0x1ef: {  	_ =	swait.ge [sflag:s23], $0x2400  }
0x1f0: {  	[sflag:s23] =	ssyncset.done $0x0  }
0x1f1: {  	[sflag:s23] =	ssyncadd.s32 $0xFFFFDC00  }
0x1f2: {  	_ =	swait.ge [sflag:s24], $0x2400  }
0x1f3: {  	[sflag:s24] =	ssyncset.done $0x0  }
0x1f4: {  	s8 =	stileid.u32;
	[sflag:s24] =	ssyncadd.s32 $0xFFFFDC00  }
0x1f5: {  	s5 =	sshll.u32 s8, $0x6;
	[bflag:$0x0] =	sbarrier.arrive $0xFFFF  }
0x1f6: {  	s5 =	sor.u32 $0x1C09, s5;
	s7 =	sshrl.u32 s6, $0x3;
	s8 =	rddreg [dreg:$0x1c]  }
0x1f7: {  	[hbm:s8], [sflag:s5] =	dma.local [spmem:s7], $0x2C28  }
0x1f8: {  	_ =	swait.ge [sflag:s9], $0x2C28  }
0x1f9: {  	s5 =	rddreg [dreg:$0x1e]  }
0x1fa: {  	s8 =	rddreg [dreg:$0x1d];
	s7 =	sadd.s32 $0x1, s5  }
0x1fb: {  	p0 =	sne.s32 s7, s8  }
.Ltmp2:
0x1fc: {  	_ = 	snop;
	(pc) =	sbr.rel @p0 .LBB2_1-.Ltmp2, $3  }
0x1fd: {  	_ =	sdelay $0x1  }
0x1fe: {  	[sflag:s9] =	ssyncset.done $0x0  }
0x1ff: {  	[sflag:s9] =	ssyncadd.s32 $0xFFFFD3D8;
	s8 =	simm.s32 $0x1F940  }
0x200: {  	_ =	sfence.sel $0x180000  }
0x201: {  	[bflag:$0x0] =	sbarrier.arrive $0xFFFF  }
0x202: {  	_ =	strace $0x90000047  }
0x203: {  	s0 =	stileid.u32;
	[bflag:$0x2] =	sbarrier.arrive $0xFFFF  }
0x204: {  	p0 =	sne.s32 s0, $0x0;
	s0 =	rddreg [dreg:$0x3]  }
0x205: {  	s0 =	sadd.s32 @!p0 $0x100000, s0  }
0x206: {  	[sflag:s0] =	ssyncadd.tile.s32 @!p0 $0x1;
	_ =	shalt  }
.Lfunc_end2:
_tile_overlayer_lowered:
.L_overlay_start_2:
0x207: {  	(tag) =	ssettag $0x2  }
0x208: {  	s0 =	rddreg [dreg:$0x0];
	s2 =	stileid.u32  }
0x209: {  	s1 =	rddreg [dreg:$0x1];
	p0 =	sne.s32 s2, $0x0  }
0x20a: {  	s3 =	rddreg [dreg:$0x2];
	[bflag:$0x3] =	sbarrier.arrive $0xFFFF;
	s2 =	simm.s32 @!p0 $0x1C09  }
0x20b: {  	[timem:s3], [sflag:s2] =	dma.local @!p0 [hbm:s0], s1  }
0x20c: {  	s0 =	simm.s32 @!p0 $0x9  }
0x20d: {  	_ =	swait.ge @!p0 [sflag:s0], s1  }
0x20e: {  	s1 =	ssub.s32 @!p0 $0x0, s1;
	[sflag:s0] =	ssyncset.done @!p0 $0x0  }
0x20f: {  	[sflag:s0] =	ssyncadd.s32 @!p0 s1  }
0x210: {  	[bflag:$0x3] =	sbarrier.arrive $0xFFFF  }
0x211: {  	_ =	shalt  }

</sc_bundles>
